<compile_context>
chip_gen: v7x
topology: tpu7x:2x2x1
jax: 0.10.2.dev20260603
libtpu: 0.0.44.dev20260713+nightly
codegen_flags: <defaults>
</compile_context>

<pallas_src>
import functools

import jax
import jax.numpy as jnp
from jax import lax
from jax.experimental import pallas as pl
from jax.experimental.pallas import tpu as pltpu
from jax.experimental.pallas import tpu_sc as plsc

_VOCAB = 100000
_DIM = 128
_B = 4096
_L = 50
_N = _B * _L
_NW = 32
_PER_W = _N // _NW
_CHUNK = 128
_NCHUNK = _PER_W // _CHUNK
_NBUF = 2

_mesh = plsc.VectorSubcoreMesh(core_axis_name="c", subcore_axis_name="s")


@functools.partial(
    pl.kernel,
    mesh=_mesh,
    out_type=(
        jax.ShapeDtypeStruct((_N, _DIM), jnp.float32),
        jax.ShapeDtypeStruct((_N, _DIM), jnp.float32),
    ),
    scratch_types=[
        pltpu.VMEM((_PER_W,), jnp.int32),
        pltpu.VMEM((_NBUF, _CHUNK, _DIM), jnp.float32),
        pltpu.VMEM((_NBUF, _CHUNK, _DIM), jnp.float32),
        pltpu.SemaphoreType.DMA((_NBUF,)),
        pltpu.SemaphoreType.DMA((_NBUF,)),
    ],
)
def _gather2(x_hbm, wr_hbm, wi_hbm, outr_hbm, outi_hbm,
             idx_v, bufr, bufi, sem_in, sem_out):
    wid = lax.axis_index("s") * 2 + lax.axis_index("c")
    base = wid * _PER_W
    pltpu.sync_copy(x_hbm.at[pl.ds(base, _PER_W)], idx_v)

    def start_gather(c, b):
        idx = idx_v.at[pl.ds(c * _CHUNK, _CHUNK)]
        pltpu.async_copy(wr_hbm.at[idx], bufr.at[b], sem_in.at[b])
        pltpu.async_copy(wi_hbm.at[idx], bufi.at[b], sem_in.at[b])

    def wait_gather(b):
        pltpu.make_async_copy(wr_hbm.at[pl.ds(0, _CHUNK)], bufr.at[b],
                              sem_in.at[b]).wait()
        pltpu.make_async_copy(wi_hbm.at[pl.ds(0, _CHUNK)], bufi.at[b],
                              sem_in.at[b]).wait()

    def start_out(c, b):
        dst = pl.ds(base + c * _CHUNK, _CHUNK)
        pltpu.async_copy(bufr.at[b], outr_hbm.at[dst], sem_out.at[b])
        pltpu.async_copy(bufi.at[b], outi_hbm.at[dst], sem_out.at[b])

    def wait_out(c, b):
        dst = pl.ds(base + c * _CHUNK, _CHUNK)
        pltpu.make_async_copy(bufr.at[b], outr_hbm.at[dst],
                              sem_out.at[b]).wait()
        pltpu.make_async_copy(bufi.at[b], outi_hbm.at[dst],
                              sem_out.at[b]).wait()

    K = 1

    def step(c, b, refill, drain_first):
        wait_gather(b)
        start_out(c, b)
        if refill:
            bk = (b + K) % _NBUF
            if drain_first:
                wait_out(c + K - _NBUF, bk)
            start_gather(c + K, bk)

    for b in range(K):
        start_gather(b, b)
    for c in range(_NBUF - K):
        step(c, c % _NBUF, True, False)

    def round_body(g, carry):
        for b in range(_NBUF):
            c = (g + 1) * _NBUF + b - K
            step(c, (b + _NBUF - K) % _NBUF, True, True)
        return carry

    lax.fori_loop(0, (_NCHUNK - _NBUF) // _NBUF, round_body, 0)

    for c in range(_NCHUNK - K, _NCHUNK):
        step(c, c % _NBUF, False, False)
    for c in range(_NCHUNK - _NBUF, _NCHUNK):
        wait_out(c, c % _NBUF)


@jax.jit
def kernel(x, W_real, W_imag):
    xt = x.T.reshape(_N)
    real, imag = _gather2(xt, W_real, W_imag)
    real3 = real.reshape(_L, _B, _DIM).transpose(1, 0, 2)
    imag3 = imag.reshape(_L, _B, _DIM).transpose(1, 0, 2)
    return lax.complex(real3, imag3)

# --- scband reference (transcript-rebuilt; emitter-appended) ---
"""Pipeline reference for scband-complex-embedding-5523327943167 (READ-ONLY COPY).

The authoritative reference and input builder live on the scoring server;
editing this copy changes nothing except your own understanding.
"""

import jax, jax.numpy as jnp
import numpy as np

VOCAB = 100000
DIM = 128
B = 4096
L = 50
SCALE = 0.02


def setup_inputs(seed: int = 0) -> dict:
    key = jax.random.key(seed)
    k1, k2, k3 = jax.random.split(key, 3)
    x = jax.random.randint(k1, (B, L), 0, VOCAB, dtype=jnp.int32)
    W_real = jax.random.normal(k2, (VOCAB, DIM), dtype=jnp.float32) * SCALE
    W_imag = jax.random.normal(k3, (VOCAB, DIM), dtype=jnp.float32) * SCALE
    return {"x": x, "W_real": W_real, "W_imag": W_imag}


def reference(x, W_real, W_imag):
    # embedding lookup -> gather rows from each table
    real = jnp.take(W_real, x, axis=0)
    imag = jnp.take(W_imag, x, axis=0)
    # torch.complex(real, imag)
    return jax.lax.complex(real, imag)

if __name__ == "__main__":
    import jax
    _d = setup_inputs()
    print(jax.jit(kernel)(*tuple(_d.values())))

</pallas_src>

<mosaic_0001>
#map = affine_map<(d0, d1) -> (0)>
#map1 = affine_map<(d0, d1) -> (0, 0)>
module attributes {stable_mosaic.version = 14 : i64} {
  func.func @_gather2(%arg0: i32, %arg1: i32, %arg2: memref<204800xi32, #tpu.memory_space<hbm>>, %arg3: memref<100000x128xf32, #tpu.memory_space<hbm>>, %arg4: memref<100000x128xf32, #tpu.memory_space<hbm>>, %arg5: memref<204800x128xf32, #tpu.memory_space<hbm>>, %arg6: memref<204800x128xf32, #tpu.memory_space<hbm>>, %arg7: memref<6400xi32, #tpu.memory_space<vmem>>, %arg8: memref<2x128x128xf32, #tpu.memory_space<vmem>>, %arg9: memref<2x128x128xf32, #tpu.memory_space<vmem>>, %arg10: memref<2x!tpu.dma_semaphore, #tpu.memory_space<semaphore_mem>>, %arg11: memref<2x!tpu.dma_semaphore, #tpu.memory_space<semaphore_mem>>) attributes {dimension_semantics = [#tpu.dimension_semantics<core_parallel>, #tpu.dimension_semantics<subcore_parallel>], iteration_bounds = array<i64: 2, 16>, scalar_prefetch = 0 : i64, scratch_operands = 5 : i64, tpu.core_type = #tpu.core_type<sc_vector_subcore>, window_params = [{transform_indices = #map}, {transform_indices = #map1}, {transform_indices = #map1}, {transform_indices = #map1}, {transform_indices = #map1}]} {
    %mul3A = arith.constant 2 : i32
    %mul3A_0 = arith.muli %arg1, %mul3A : i32
    %add3A = arith.addi %mul3A_0, %arg0 : i32
    %mul3A_1 = arith.constant 6400 : i32
    %mul3A_2 = arith.muli %add3A, %mul3A_1 : i32
    "tpu.region"() ({
      %run_scoped3A = tpu.sem_alloc : memref<!tpu.dma_semaphore, #tpu.memory_space<semaphore_mem>>
      %dma_start3A_266 = tpu.memref_slice %arg2[%mul3A_2] : memref<204800xi32, #tpu.memory_space<hbm>> -> memref<6400xi32, #tpu.memory_space<hbm>>
      %dma_start3A_267 = tpu.memref_slice %arg2[%mul3A_2] : memref<204800xi32, #tpu.memory_space<hbm>> -> memref<6400xi32, #tpu.memory_space<hbm>>
      tpu.enqueue_dma source(%dma_start3A_267 : memref<6400xi32, #tpu.memory_space<hbm>>) target(%arg7 : memref<6400xi32, #tpu.memory_space<vmem>>) target_semaphore(%run_scoped3A : memref<!tpu.dma_semaphore, #tpu.memory_space<semaphore_mem>>)
      %dma_wait3A_268 = tpu.memref_slice %arg2[%mul3A_2] : memref<204800xi32, #tpu.memory_space<hbm>> -> memref<6400xi32, #tpu.memory_space<hbm>>
      %dma_wait3A_269 = tpu.memref_slice %arg2[%mul3A_2] : memref<204800xi32, #tpu.memory_space<hbm>> -> memref<6400xi32, #tpu.memory_space<hbm>>
      tpu.wait_dma2 semaphore(%run_scoped3A : memref<!tpu.dma_semaphore, #tpu.memory_space<semaphore_mem>>) src(%dma_wait3A_269 : memref<6400xi32, #tpu.memory_space<hbm>>) dst(%arg7 : memref<6400xi32, #tpu.memory_space<vmem>>)
      tpu.yield
    }) : () -> ()
    %dma_start3A = arith.constant 0 : i32
    %dma_start3A_3 = arith.constant 0 : i32
    %dma_start3A_4 = arith.constant 0 : i32
    %dma_start3A_5 = arith.constant 0 : i32
    %dma_start3A_6 = tpu.memref_slice %arg8[%dma_start3A, %dma_start3A_4, %dma_start3A_5] : memref<2x128x128xf32, #tpu.memory_space<vmem>> -> memref<1x128x128xf32, #tpu.memory_space<vmem>>
    %dma_start3A_7 = tpu.memref_squeeze %dma_start3A_6 : memref<1x128x128xf32, #tpu.memory_space<vmem>> -> memref<128x128xf32, #tpu.memory_space<vmem>>
    %dma_start3A_8 = arith.constant 0 : i32
    %dma_start3A_9 = tpu.memref_slice %arg7[%dma_start3A_8] : memref<6400xi32, #tpu.memory_space<vmem>> -> memref<128xi32, #tpu.memory_space<vmem>>
    %dma_start3A_10 = arith.constant 0 : i32
    %dma_start3A_11 = arith.constant 0 : i32
    %dma_start3A_12 = tpu.memref_slice %arg3[%dma_start3A_10, %dma_start3A_11] : memref<100000x128xf32, #tpu.memory_space<hbm>> -> memref<100000x128xf32, #tpu.memory_space<hbm>>
    %dma_start3A_13 = tpu.memref_slice %arg10[%dma_start3A_3] : memref<2x!tpu.dma_semaphore, #tpu.memory_space<semaphore_mem>> -> memref<1x!tpu.dma_semaphore, #tpu.memory_space<semaphore_mem>>
    %dma_start3A_14 = tpu.memref_squeeze %dma_start3A_13 : memref<1x!tpu.dma_semaphore, #tpu.memory_space<semaphore_mem>> -> memref<!tpu.dma_semaphore, #tpu.memory_space<semaphore_mem>>
    tpu.enqueue_indirect_dma source(%dma_start3A_12 : memref<100000x128xf32, #tpu.memory_space<hbm>>) target(%dma_start3A_7 : memref<128x128xf32, #tpu.memory_space<vmem>>) offsets(%dma_start3A_9 : memref<128xi32, #tpu.memory_space<vmem>>) semaphore(%dma_start3A_14 : memref<!tpu.dma_semaphore, #tpu.memory_space<semaphore_mem>>)
    %dma_start3A_15 = arith.constant 0 : i32
    %dma_start3A_16 = arith.constant 0 : i32
    %dma_start3A_17 = arith.constant 0 : i32
    %dma_start3A_18 = arith.constant 0 : i32
    %dma_start3A_19 = tpu.memref_slice %arg9[%dma_start3A_15, %dma_start3A_17, %dma_start3A_18] : memref<2x128x128xf32, #tpu.memory_space<vmem>> -> memref<1x128x128xf32, #tpu.memory_space<vmem>>
    %dma_start3A_20 = tpu.memref_squeeze %dma_start3A_19 : memref<1x128x128xf32, #tpu.memory_space<vmem>> -> memref<128x128xf32, #tpu.memory_space<vmem>>
    %dma_start3A_21 = arith.constant 0 : i32
    %dma_start3A_22 = tpu.memref_slice %arg7[%dma_start3A_21] : memref<6400xi32, #tpu.memory_space<vmem>> -> memref<128xi32, #tpu.memory_space<vmem>>
    %dma_start3A_23 = arith.constant 0 : i32
    %dma_start3A_24 = arith.constant 0 : i32
    %dma_start3A_25 = tpu.memref_slice %arg4[%dma_start3A_23, %dma_start3A_24] : memref<100000x128xf32, #tpu.memory_space<hbm>> -> memref<100000x128xf32, #tpu.memory_space<hbm>>
    %dma_start3A_26 = tpu.memref_slice %arg10[%dma_start3A_16] : memref<2x!tpu.dma_semaphore, #tpu.memory_space<semaphore_mem>> -> memref<1x!tpu.dma_semaphore, #tpu.memory_space<semaphore_mem>>
    %dma_start3A_27 = tpu.memref_squeeze %dma_start3A_26 : memref<1x!tpu.dma_semaphore, #tpu.memory_space<semaphore_mem>> -> memref<!tpu.dma_semaphore, #tpu.memory_space<semaphore_mem>>
    tpu.enqueue_indirect_dma source(%dma_start3A_25 : memref<100000x128xf32, #tpu.memory_space<hbm>>) target(%dma_start3A_20 : memref<128x128xf32, #tpu.memory_space<vmem>>) offsets(%dma_start3A_22 : memref<128xi32, #tpu.memory_space<vmem>>) semaphore(%dma_start3A_27 : memref<!tpu.dma_semaphore, #tpu.memory_space<semaphore_mem>>)
    %dma_wait3A = arith.constant 0 : i32
    %dma_wait3A_28 = arith.constant 0 : i32
    %dma_wait3A_29 = arith.constant 0 : i32
    %dma_wait3A_30 = arith.constant 0 : i32
    %dma_wait3A_31 = tpu.memref_slice %arg8[%dma_wait3A, %dma_wait3A_29, %dma_wait3A_30] : memref<2x128x128xf32, #tpu.memory_space<vmem>> -> memref<1x128x128xf32, #tpu.memory_space<vmem>>
    %dma_wait3A_32 = tpu.memref_squeeze %dma_wait3A_31 : memref<1x128x128xf32, #tpu.memory_space<vmem>> -> memref<128x128xf32, #tpu.memory_space<vmem>>
    %dma_wait3A_33 = arith.constant 0 : i32
    %dma_wait3A_34 = arith.constant 0 : i32
    %dma_wait3A_35 = tpu.memref_slice %arg3[%dma_wait3A_33, %dma_wait3A_34] : memref<100000x128xf32, #tpu.memory_space<hbm>> -> memref<128x128xf32, #tpu.memory_space<hbm>>
    %dma_wait3A_36 = tpu.memref_slice %arg10[%dma_wait3A_28] : memref<2x!tpu.dma_semaphore, #tpu.memory_space<semaphore_mem>> -> memref<1x!tpu.dma_semaphore, #tpu.memory_space<semaphore_mem>>
    %dma_wait3A_37 = tpu.memref_squeeze %dma_wait3A_36 : memref<1x!tpu.dma_semaphore, #tpu.memory_space<semaphore_mem>> -> memref<!tpu.dma_semaphore, #tpu.memory_space<semaphore_mem>>
    %dma_wait3A_38 = arith.constant 0 : i32
    %dma_wait3A_39 = arith.constant 0 : i32
    %dma_wait3A_40 = tpu.memref_slice %arg8[%dma_wait3A, %dma_wait3A_38, %dma_wait3A_39] : memref<2x128x128xf32, #tpu.memory_space<vmem>> -> memref<1x128x128xf32, #tpu.memory_space<vmem>>
    %dma_wait3A_41 = tpu.memref_squeeze %dma_wait3A_40 : memref<1x128x128xf32, #tpu.memory_space<vmem>> -> memref<128x128xf32, #tpu.memory_space<vmem>>
    %dma_wait3A_42 = arith.constant 0 : i32
    %dma_wait3A_43 = arith.constant 0 : i32
    %dma_wait3A_44 = tpu.memref_slice %arg3[%dma_wait3A_42, %dma_wait3A_43] : memref<100000x128xf32, #tpu.memory_space<hbm>> -> memref<128x128xf32, #tpu.memory_space<hbm>>
    tpu.wait_dma2 semaphore(%dma_wait3A_37 : memref<!tpu.dma_semaphore, #tpu.memory_space<semaphore_mem>>) src(%dma_wait3A_44 : memref<128x128xf32, #tpu.memory_space<hbm>>) dst(%dma_wait3A_41 : memref<128x128xf32, #tpu.memory_space<vmem>>)
    %dma_wait3A_45 = arith.constant 0 : i32
    %dma_wait3A_46 = arith.constant 0 : i32
    %dma_wait3A_47 = arith.constant 0 : i32
    %dma_wait3A_48 = arith.constant 0 : i32
    %dma_wait3A_49 = tpu.memref_slice %arg9[%dma_wait3A_45, %dma_wait3A_47, %dma_wait3A_48] : memref<2x128x128xf32, #tpu.memory_space<vmem>> -> memref<1x128x128xf32, #tpu.memory_space<vmem>>
    %dma_wait3A_50 = tpu.memref_squeeze %dma_wait3A_49 : memref<1x128x128xf32, #tpu.memory_space<vmem>> -> memref<128x128xf32, #tpu.memory_space<vmem>>
    %dma_wait3A_51 = arith.constant 0 : i32
    %dma_wait3A_52 = arith.constant 0 : i32
    %dma_wait3A_53 = tpu.memref_slice %arg4[%dma_wait3A_51, %dma_wait3A_52] : memref<100000x128xf32, #tpu.memory_space<hbm>> -> memref<128x128xf32, #tpu.memory_space<hbm>>
    %dma_wait3A_54 = tpu.memref_slice %arg10[%dma_wait3A_46] : memref<2x!tpu.dma_semaphore, #tpu.memory_space<semaphore_mem>> -> memref<1x!tpu.dma_semaphore, #tpu.memory_space<semaphore_mem>>
    %dma_wait3A_55 = tpu.memref_squeeze %dma_wait3A_54 : memref<1x!tpu.dma_semaphore, #tpu.memory_space<semaphore_mem>> -> memref<!tpu.dma_semaphore, #tpu.memory_space<semaphore_mem>>
    %dma_wait3A_56 = arith.constant 0 : i32
    %dma_wait3A_57 = arith.constant 0 : i32
    %dma_wait3A_58 = tpu.memref_slice %arg9[%dma_wait3A_45, %dma_wait3A_56, %dma_wait3A_57] : memref<2x128x128xf32, #tpu.memory_space<vmem>> -> memref<1x128x128xf32, #tpu.memory_space<vmem>>
    %dma_wait3A_59 = tpu.memref_squeeze %dma_wait3A_58 : memref<1x128x128xf32, #tpu.memory_space<vmem>> -> memref<128x128xf32, #tpu.memory_space<vmem>>
    %dma_wait3A_60 = arith.constant 0 : i32
    %dma_wait3A_61 = arith.constant 0 : i32
    %dma_wait3A_62 = tpu.memref_slice %arg4[%dma_wait3A_60, %dma_wait3A_61] : memref<100000x128xf32, #tpu.memory_space<hbm>> -> memref<128x128xf32, #tpu.memory_space<hbm>>
    tpu.wait_dma2 semaphore(%dma_wait3A_55 : memref<!tpu.dma_semaphore, #tpu.memory_space<semaphore_mem>>) src(%dma_wait3A_62 : memref<128x128xf32, #tpu.memory_space<hbm>>) dst(%dma_wait3A_59 : memref<128x128xf32, #tpu.memory_space<vmem>>)
    %add3A_63 = arith.constant 0 : i32
    %add3A_64 = arith.addi %mul3A_2, %add3A_63 : i32
    %dma_start3A_65 = arith.constant 0 : i32
    %dma_start3A_66 = arith.constant 0 : i32
    %dma_start3A_67 = arith.constant 0 : i32
    %dma_start3A_68 = arith.constant 0 : i32
    %dma_start3A_69 = tpu.memref_slice %arg8[%dma_start3A_65, %dma_start3A_67, %dma_start3A_68] : memref<2x128x128xf32, #tpu.memory_space<vmem>> -> memref<1x128x128xf32, #tpu.memory_space<vmem>>
    %dma_start3A_70 = tpu.memref_squeeze %dma_start3A_69 : memref<1x128x128xf32, #tpu.memory_space<vmem>> -> memref<128x128xf32, #tpu.memory_space<vmem>>
    %dma_start3A_71 = arith.constant 0 : i32
    %dma_start3A_72 = tpu.memref_slice %arg5[%add3A_64, %dma_start3A_71] : memref<204800x128xf32, #tpu.memory_space<hbm>> -> memref<128x128xf32, #tpu.memory_space<hbm>>
    %dma_start3A_73 = tpu.memref_slice %arg11[%dma_start3A_66] : memref<2x!tpu.dma_semaphore, #tpu.memory_space<semaphore_mem>> -> memref<1x!tpu.dma_semaphore, #tpu.memory_space<semaphore_mem>>
    %dma_start3A_74 = tpu.memref_squeeze %dma_start3A_73 : memref<1x!tpu.dma_semaphore, #tpu.memory_space<semaphore_mem>> -> memref<!tpu.dma_semaphore, #tpu.memory_space<semaphore_mem>>
    %dma_start3A_75 = arith.constant 0 : i32
    %dma_start3A_76 = tpu.memref_slice %arg5[%add3A_64, %dma_start3A_75] : memref<204800x128xf32, #tpu.memory_space<hbm>> -> memref<128x128xf32, #tpu.memory_space<hbm>>
    %dma_start3A_77 = arith.constant 0 : i32
    %dma_start3A_78 = arith.constant 0 : i32
    %dma_start3A_79 = tpu.memref_slice %arg8[%dma_start3A_65, %dma_start3A_77, %dma_start3A_78] : memref<2x128x128xf32, #tpu.memory_space<vmem>> -> memref<1x128x128xf32, #tpu.memory_space<vmem>>
    %dma_start3A_80 = tpu.memref_squeeze %dma_start3A_79 : memref<1x128x128xf32, #tpu.memory_space<vmem>> -> memref<128x128xf32, #tpu.memory_space<vmem>>
    tpu.enqueue_dma source(%dma_start3A_80 : memref<128x128xf32, #tpu.memory_space<vmem>>) target(%dma_start3A_76 : memref<128x128xf32, #tpu.memory_space<hbm>>) target_semaphore(%dma_start3A_74 : memref<!tpu.dma_semaphore, #tpu.memory_space<semaphore_mem>>)
    %dma_start3A_81 = arith.constant 0 : i32
    %dma_start3A_82 = arith.constant 0 : i32
    %dma_start3A_83 = arith.constant 0 : i32
    %dma_start3A_84 = arith.constant 0 : i32
    %dma_start3A_85 = tpu.memref_slice %arg9[%dma_start3A_81, %dma_start3A_83, %dma_start3A_84] : memref<2x128x128xf32, #tpu.memory_space<vmem>> -> memref<1x128x128xf32, #tpu.memory_space<vmem>>
    %dma_start3A_86 = tpu.memref_squeeze %dma_start3A_85 : memref<1x128x128xf32, #tpu.memory_space<vmem>> -> memref<128x128xf32, #tpu.memory_space<vmem>>
    %dma_start3A_87 = arith.constant 0 : i32
    %dma_start3A_88 = tpu.memref_slice %arg6[%add3A_64, %dma_start3A_87] : memref<204800x128xf32, #tpu.memory_space<hbm>> -> memref<128x128xf32, #tpu.memory_space<hbm>>
    %dma_start3A_89 = tpu.memref_slice %arg11[%dma_start3A_82] : memref<2x!tpu.dma_semaphore, #tpu.memory_space<semaphore_mem>> -> memref<1x!tpu.dma_semaphore, #tpu.memory_space<semaphore_mem>>
    %dma_start3A_90 = tpu.memref_squeeze %dma_start3A_89 : memref<1x!tpu.dma_semaphore, #tpu.memory_space<semaphore_mem>> -> memref<!tpu.dma_semaphore, #tpu.memory_space<semaphore_mem>>
    %dma_start3A_91 = arith.constant 0 : i32
    %dma_start3A_92 = tpu.memref_slice %arg6[%add3A_64, %dma_start3A_91] : memref<204800x128xf32, #tpu.memory_space<hbm>> -> memref<128x128xf32, #tpu.memory_space<hbm>>
    %dma_start3A_93 = arith.constant 0 : i32
    %dma_start3A_94 = arith.constant 0 : i32
    %dma_start3A_95 = tpu.memref_slice %arg9[%dma_start3A_81, %dma_start3A_93, %dma_start3A_94] : memref<2x128x128xf32, #tpu.memory_space<vmem>> -> memref<1x128x128xf32, #tpu.memory_space<vmem>>
    %dma_start3A_96 = tpu.memref_squeeze %dma_start3A_95 : memref<1x128x128xf32, #tpu.memory_space<vmem>> -> memref<128x128xf32, #tpu.memory_space<vmem>>
    tpu.enqueue_dma source(%dma_start3A_96 : memref<128x128xf32, #tpu.memory_space<vmem>>) target(%dma_start3A_92 : memref<128x128xf32, #tpu.memory_space<hbm>>) target_semaphore(%dma_start3A_90 : memref<!tpu.dma_semaphore, #tpu.memory_space<semaphore_mem>>)
    %dma_start3A_97 = arith.constant 1 : i32
    %dma_start3A_98 = arith.constant 1 : i32
    %dma_start3A_99 = arith.constant 0 : i32
    %dma_start3A_100 = arith.constant 0 : i32
    %dma_start3A_101 = tpu.memref_slice %arg8[%dma_start3A_97, %dma_start3A_99, %dma_start3A_100] : memref<2x128x128xf32, #tpu.memory_space<vmem>> -> memref<1x128x128xf32, #tpu.memory_space<vmem>>
    %dma_start3A_102 = tpu.memref_squeeze %dma_start3A_101 : memref<1x128x128xf32, #tpu.memory_space<vmem>> -> memref<128x128xf32, #tpu.memory_space<vmem>>
    %dma_start3A_103 = arith.constant 128 : i32
    %dma_start3A_104 = tpu.memref_slice %arg7[%dma_start3A_103] : memref<6400xi32, #tpu.memory_space<vmem>> -> memref<128xi32, #tpu.memory_space<vmem>>
    %dma_start3A_105 = arith.constant 0 : i32
    %dma_start3A_106 = arith.constant 0 : i32
    %dma_start3A_107 = tpu.memref_slice %arg3[%dma_start3A_105, %dma_start3A_106] : memref<100000x128xf32, #tpu.memory_space<hbm>> -> memref<100000x128xf32, #tpu.memory_space<hbm>>
    %dma_start3A_108 = tpu.memref_slice %arg10[%dma_start3A_98] : memref<2x!tpu.dma_semaphore, #tpu.memory_space<semaphore_mem>> -> memref<1x!tpu.dma_semaphore, #tpu.memory_space<semaphore_mem>>
    %dma_start3A_109 = tpu.memref_squeeze %dma_start3A_108 : memref<1x!tpu.dma_semaphore, #tpu.memory_space<semaphore_mem>> -> memref<!tpu.dma_semaphore, #tpu.memory_space<semaphore_mem>>
    tpu.enqueue_indirect_dma source(%dma_start3A_107 : memref<100000x128xf32, #tpu.memory_space<hbm>>) target(%dma_start3A_102 : memref<128x128xf32, #tpu.memory_space<vmem>>) offsets(%dma_start3A_104 : memref<128xi32, #tpu.memory_space<vmem>>) semaphore(%dma_start3A_109 : memref<!tpu.dma_semaphore, #tpu.memory_space<semaphore_mem>>)
    %dma_start3A_110 = arith.constant 1 : i32
    %dma_start3A_111 = arith.constant 1 : i32
    %dma_start3A_112 = arith.constant 0 : i32
    %dma_start3A_113 = arith.constant 0 : i32
    %dma_start3A_114 = tpu.memref_slice %arg9[%dma_start3A_110, %dma_start3A_112, %dma_start3A_113] : memref<2x128x128xf32, #tpu.memory_space<vmem>> -> memref<1x128x128xf32, #tpu.memory_space<vmem>>
    %dma_start3A_115 = tpu.memref_squeeze %dma_start3A_114 : memref<1x128x128xf32, #tpu.memory_space<vmem>> -> memref<128x128xf32, #tpu.memory_space<vmem>>
    %dma_start3A_116 = arith.constant 128 : i32
    %dma_start3A_117 = tpu.memref_slice %arg7[%dma_start3A_116] : memref<6400xi32, #tpu.memory_space<vmem>> -> memref<128xi32, #tpu.memory_space<vmem>>
    %dma_start3A_118 = arith.constant 0 : i32
    %dma_start3A_119 = arith.constant 0 : i32
    %dma_start3A_120 = tpu.memref_slice %arg4[%dma_start3A_118, %dma_start3A_119] : memref<100000x128xf32, #tpu.memory_space<hbm>> -> memref<100000x128xf32, #tpu.memory_space<hbm>>
    %dma_start3A_121 = tpu.memref_slice %arg10[%dma_start3A_111] : memref<2x!tpu.dma_semaphore, #tpu.memory_space<semaphore_mem>> -> memref<1x!tpu.dma_semaphore, #tpu.memory_space<semaphore_mem>>
    %dma_start3A_122 = tpu.memref_squeeze %dma_start3A_121 : memref<1x!tpu.dma_semaphore, #tpu.memory_space<semaphore_mem>> -> memref<!tpu.dma_semaphore, #tpu.memory_space<semaphore_mem>>
    tpu.enqueue_indirect_dma source(%dma_start3A_120 : memref<100000x128xf32, #tpu.memory_space<hbm>>) target(%dma_start3A_115 : memref<128x128xf32, #tpu.memory_space<vmem>>) offsets(%dma_start3A_117 : memref<128xi32, #tpu.memory_space<vmem>>) semaphore(%dma_start3A_122 : memref<!tpu.dma_semaphore, #tpu.memory_space<semaphore_mem>>)
    %scan3A = arith.constant 0 : i32
    %scan3A_123 = arith.constant 0 : i32
    %scan3A_124 = arith.constant 24 : i32
    %scan3A_125 = arith.addi %scan3A_123, %scan3A_124 : i32
    %scan3A_126 = arith.constant 1 : i32
    scf.for %scan3A_266 = %scan3A_123 to %scan3A_125 step %scan3A_126  : i32 {
      %add3A_267 = arith.constant 1 : i32
      %add3A_268 = arith.addi %scan3A_266, %add3A_267 : i32
      %mul3A_269 = arith.constant 2 : i32
      %mul3A_270 = arith.muli %add3A_268, %mul3A_269 : i32
      %add3A_271 = arith.constant 0 : i32
      %add3A_272 = arith.addi %mul3A_270, %add3A_271 : i32
      %sub3A = arith.constant 1 : i32
      %sub3A_273 = arith.subi %add3A_272, %sub3A : i32
      %dma_wait3A_274 = arith.constant 1 : i32
      %dma_wait3A_275 = arith.constant 1 : i32
      %dma_wait3A_276 = arith.constant 0 : i32
      %dma_wait3A_277 = arith.constant 0 : i32
      %dma_wait3A_278 = tpu.memref_slice %arg8[%dma_wait3A_274, %dma_wait3A_276, %dma_wait3A_277] : memref<2x128x128xf32, #tpu.memory_space<vmem>> -> memref<1x128x128xf32, #tpu.memory_space<vmem>>
      %dma_wait3A_279 = tpu.memref_squeeze %dma_wait3A_278 : memref<1x128x128xf32, #tpu.memory_space<vmem>> -> memref<128x128xf32, #tpu.memory_space<vmem>>
      %dma_wait3A_280 = arith.constant 0 : i32
      %dma_wait3A_281 = arith.constant 0 : i32
      %dma_wait3A_282 = tpu.memref_slice %arg3[%dma_wait3A_280, %dma_wait3A_281] : memref<100000x128xf32, #tpu.memory_space<hbm>> -> memref<128x128xf32, #tpu.memory_space<hbm>>
      %dma_wait3A_283 = tpu.memref_slice %arg10[%dma_wait3A_275] : memref<2x!tpu.dma_semaphore, #tpu.memory_space<semaphore_mem>> -> memref<1x!tpu.dma_semaphore, #tpu.memory_space<semaphore_mem>>
      %dma_wait3A_284 = tpu.memref_squeeze %dma_wait3A_283 : memref<1x!tpu.dma_semaphore, #tpu.memory_space<semaphore_mem>> -> memref<!tpu.dma_semaphore, #tpu.memory_space<semaphore_mem>>
      %dma_wait3A_285 = arith.constant 0 : i32
      %dma_wait3A_286 = arith.constant 0 : i32
      %dma_wait3A_287 = tpu.memref_slice %arg8[%dma_wait3A_274, %dma_wait3A_285, %dma_wait3A_286] : memref<2x128x128xf32, #tpu.memory_space<vmem>> -> memref<1x128x128xf32, #tpu.memory_space<vmem>>
      %dma_wait3A_288 = tpu.memref_squeeze %dma_wait3A_287 : memref<1x128x128xf32, #tpu.memory_space<vmem>> -> memref<128x128xf32, #tpu.memory_space<vmem>>
      %dma_wait3A_289 = arith.constant 0 : i32
      %dma_wait3A_290 = arith.constant 0 : i32
      %dma_wait3A_291 = tpu.memref_slice %arg3[%dma_wait3A_289, %dma_wait3A_290] : memref<100000x128xf32, #tpu.memory_space<hbm>> -> memref<128x128xf32, #tpu.memory_space<hbm>>
      tpu.wait_dma2 semaphore(%dma_wait3A_284 : memref<!tpu.dma_semaphore, #tpu.memory_space<semaphore_mem>>) src(%dma_wait3A_291 : memref<128x128xf32, #tpu.memory_space<hbm>>) dst(%dma_wait3A_288 : memref<128x128xf32, #tpu.memory_space<vmem>>)
      %dma_wait3A_292 = arith.constant 1 : i32
      %dma_wait3A_293 = arith.constant 1 : i32
      %dma_wait3A_294 = arith.constant 0 : i32
      %dma_wait3A_295 = arith.constant 0 : i32
      %dma_wait3A_296 = tpu.memref_slice %arg9[%dma_wait3A_292, %dma_wait3A_294, %dma_wait3A_295] : memref<2x128x128xf32, #tpu.memory_space<vmem>> -> memref<1x128x128xf32, #tpu.memory_space<vmem>>
      %dma_wait3A_297 = tpu.memref_squeeze %dma_wait3A_296 : memref<1x128x128xf32, #tpu.memory_space<vmem>> -> memref<128x128xf32, #tpu.memory_space<vmem>>
      %dma_wait3A_298 = arith.constant 0 : i32
      %dma_wait3A_299 = arith.constant 0 : i32
      %dma_wait3A_300 = tpu.memref_slice %arg4[%dma_wait3A_298, %dma_wait3A_299] : memref<100000x128xf32, #tpu.memory_space<hbm>> -> memref<128x128xf32, #tpu.memory_space<hbm>>
      %dma_wait3A_301 = tpu.memref_slice %arg10[%dma_wait3A_293] : memref<2x!tpu.dma_semaphore, #tpu.memory_space<semaphore_mem>> -> memref<1x!tpu.dma_semaphore, #tpu.memory_space<semaphore_mem>>
      %dma_wait3A_302 = tpu.memref_squeeze %dma_wait3A_301 : memref<1x!tpu.dma_semaphore, #tpu.memory_space<semaphore_mem>> -> memref<!tpu.dma_semaphore, #tpu.memory_space<semaphore_mem>>
      %dma_wait3A_303 = arith.constant 0 : i32
      %dma_wait3A_304 = arith.constant 0 : i32
      %dma_wait3A_305 = tpu.memref_slice %arg9[%dma_wait3A_292, %dma_wait3A_303, %dma_wait3A_304] : memref<2x128x128xf32, #tpu.memory_space<vmem>> -> memref<1x128x128xf32, #tpu.memory_space<vmem>>
      %dma_wait3A_306 = tpu.memref_squeeze %dma_wait3A_305 : memref<1x128x128xf32, #tpu.memory_space<vmem>> -> memref<128x128xf32, #tpu.memory_space<vmem>>
      %dma_wait3A_307 = arith.constant 0 : i32
      %dma_wait3A_308 = arith.constant 0 : i32
      %dma_wait3A_309 = tpu.memref_slice %arg4[%dma_wait3A_307, %dma_wait3A_308] : memref<100000x128xf32, #tpu.memory_space<hbm>> -> memref<128x128xf32, #tpu.memory_space<hbm>>
      tpu.wait_dma2 semaphore(%dma_wait3A_302 : memref<!tpu.dma_semaphore, #tpu.memory_space<semaphore_mem>>) src(%dma_wait3A_309 : memref<128x128xf32, #tpu.memory_space<hbm>>) dst(%dma_wait3A_306 : memref<128x128xf32, #tpu.memory_space<vmem>>)
      %mul3A_310 = arith.constant 128 : i32
      %mul3A_311 = arith.muli %sub3A_273, %mul3A_310 : i32
      %add3A_312 = arith.addi %mul3A_2, %mul3A_311 : i32
      %dma_start3A_313 = arith.constant 1 : i32
      %dma_start3A_314 = arith.constant 1 : i32
      %dma_start3A_315 = arith.constant 0 : i32
      %dma_start3A_316 = arith.constant 0 : i32
      %dma_start3A_317 = tpu.memref_slice %arg8[%dma_start3A_313, %dma_start3A_315, %dma_start3A_316] : memref<2x128x128xf32, #tpu.memory_space<vmem>> -> memref<1x128x128xf32, #tpu.memory_space<vmem>>
      %dma_start3A_318 = tpu.memref_squeeze %dma_start3A_317 : memref<1x128x128xf32, #tpu.memory_space<vmem>> -> memref<128x128xf32, #tpu.memory_space<vmem>>
      %dma_start3A_319 = arith.constant 0 : i32
      %dma_start3A_320 = tpu.memref_slice %arg5[%add3A_312, %dma_start3A_319] : memref<204800x128xf32, #tpu.memory_space<hbm>> -> memref<128x128xf32, #tpu.memory_space<hbm>>
      %dma_start3A_321 = tpu.memref_slice %arg11[%dma_start3A_314] : memref<2x!tpu.dma_semaphore, #tpu.memory_space<semaphore_mem>> -> memref<1x!tpu.dma_semaphore, #tpu.memory_space<semaphore_mem>>
      %dma_start3A_322 = tpu.memref_squeeze %dma_start3A_321 : memref<1x!tpu.dma_semaphore, #tpu.memory_space<semaphore_mem>> -> memref<!tpu.dma_semaphore, #tpu.memory_space<semaphore_mem>>
      %dma_start3A_323 = arith.constant 0 : i32
      %dma_start3A_324 = tpu.memref_slice %arg5[%add3A_312, %dma_start3A_323] : memref<204800x128xf32, #tpu.memory_space<hbm>> -> memref<128x128xf32, #tpu.memory_space<hbm>>
      %dma_start3A_325 = arith.constant 0 : i32
      %dma_start3A_326 = arith.constant 0 : i32
      %dma_start3A_327 = tpu.memref_slice %arg8[%dma_start3A_313, %dma_start3A_325, %dma_start3A_326] : memref<2x128x128xf32, #tpu.memory_space<vmem>> -> memref<1x128x128xf32, #tpu.memory_space<vmem>>
      %dma_start3A_328 = tpu.memref_squeeze %dma_start3A_327 : memref<1x128x128xf32, #tpu.memory_space<vmem>> -> memref<128x128xf32, #tpu.memory_space<vmem>>
      tpu.enqueue_dma source(%dma_start3A_328 : memref<128x128xf32, #tpu.memory_space<vmem>>) target(%dma_start3A_324 : memref<128x128xf32, #tpu.memory_space<hbm>>) target_semaphore(%dma_start3A_322 : memref<!tpu.dma_semaphore, #tpu.memory_space<semaphore_mem>>)
      %dma_start3A_329 = arith.constant 1 : i32
      %dma_start3A_330 = arith.constant 1 : i32
      %dma_start3A_331 = arith.constant 0 : i32
      %dma_start3A_332 = arith.constant 0 : i32
      %dma_start3A_333 = tpu.memref_slice %arg9[%dma_start3A_329, %dma_start3A_331, %dma_start3A_332] : memref<2x128x128xf32, #tpu.memory_space<vmem>> -> memref<1x128x128xf32, #tpu.memory_space<vmem>>
      %dma_start3A_334 = tpu.memref_squeeze %dma_start3A_333 : memref<1x128x128xf32, #tpu.memory_space<vmem>> -> memref<128x128xf32, #tpu.memory_space<vmem>>
      %dma_start3A_335 = arith.constant 0 : i32
      %dma_start3A_336 = tpu.memref_slice %arg6[%add3A_312, %dma_start3A_335] : memref<204800x128xf32, #tpu.memory_space<hbm>> -> memref<128x128xf32, #tpu.memory_space<hbm>>
      %dma_start3A_337 = tpu.memref_slice %arg11[%dma_start3A_330] : memref<2x!tpu.dma_semaphore, #tpu.memory_space<semaphore_mem>> -> memref<1x!tpu.dma_semaphore, #tpu.memory_space<semaphore_mem>>
      %dma_start3A_338 = tpu.memref_squeeze %dma_start3A_337 : memref<1x!tpu.dma_semaphore, #tpu.memory_space<semaphore_mem>> -> memref<!tpu.dma_semaphore, #tpu.memory_space<semaphore_mem>>
      %dma_start3A_339 = arith.constant 0 : i32
      %dma_start3A_340 = tpu.memref_slice %arg6[%add3A_312, %dma_start3A_339] : memref<204800x128xf32, #tpu.memory_space<hbm>> -> memref<128x128xf32, #tpu.memory_space<hbm>>
      %dma_start3A_341 = arith.constant 0 : i32
      %dma_start3A_342 = arith.constant 0 : i32
      %dma_start3A_343 = tpu.memref_slice %arg9[%dma_start3A_329, %dma_start3A_341, %dma_start3A_342] : memref<2x128x128xf32, #tpu.memory_space<vmem>> -> memref<1x128x128xf32, #tpu.memory_space<vmem>>
      %dma_start3A_344 = tpu.memref_squeeze %dma_start3A_343 : memref<1x128x128xf32, #tpu.memory_space<vmem>> -> memref<128x128xf32, #tpu.memory_space<vmem>>
      tpu.enqueue_dma source(%dma_start3A_344 : memref<128x128xf32, #tpu.memory_space<vmem>>) target(%dma_start3A_340 : memref<128x128xf32, #tpu.memory_space<hbm>>) target_semaphore(%dma_start3A_338 : memref<!tpu.dma_semaphore, #tpu.memory_space<semaphore_mem>>)
      %add3A_345 = arith.constant 1 : i32
      %add3A_346 = arith.addi %sub3A_273, %add3A_345 : i32
      %sub3A_347 = arith.constant 2 : i32
      %sub3A_348 = arith.subi %add3A_346, %sub3A_347 : i32
      %mul3A_349 = arith.constant 128 : i32
      %mul3A_350 = arith.muli %sub3A_348, %mul3A_349 : i32
      %add3A_351 = arith.addi %mul3A_2, %mul3A_350 : i32
      %dma_wait3A_352 = arith.constant 0 : i32
      %dma_wait3A_353 = arith.constant 0 : i32
      %dma_wait3A_354 = arith.constant 0 : i32
      %dma_wait3A_355 = arith.constant 0 : i32
      %dma_wait3A_356 = tpu.memref_slice %arg8[%dma_wait3A_352, %dma_wait3A_354, %dma_wait3A_355] : memref<2x128x128xf32, #tpu.memory_space<vmem>> -> memref<1x128x128xf32, #tpu.memory_space<vmem>>
      %dma_wait3A_357 = tpu.memref_squeeze %dma_wait3A_356 : memref<1x128x128xf32, #tpu.memory_space<vmem>> -> memref<128x128xf32, #tpu.memory_space<vmem>>
      %dma_wait3A_358 = arith.constant 0 : i32
      %dma_wait3A_359 = tpu.memref_slice %arg5[%add3A_351, %dma_wait3A_358] : memref<204800x128xf32, #tpu.memory_space<hbm>> -> memref<128x128xf32, #tpu.memory_space<hbm>>
      %dma_wait3A_360 = tpu.memref_slice %arg11[%dma_wait3A_353] : memref<2x!tpu.dma_semaphore, #tpu.memory_space<semaphore_mem>> -> memref<1x!tpu.dma_semaphore, #tpu.memory_space<semaphore_mem>>
      %dma_wait3A_361 = tpu.memref_squeeze %dma_wait3A_360 : memref<1x!tpu.dma_semaphore, #tpu.memory_space<semaphore_mem>> -> memref<!tpu.dma_semaphore, #tpu.memory_space<semaphore_mem>>
      %dma_wait3A_362 = arith.constant 0 : i32
      %dma_wait3A_363 = tpu.memref_slice %arg5[%add3A_351, %dma_wait3A_362] : memref<204800x128xf32, #tpu.memory_space<hbm>> -> memref<128x128xf32, #tpu.memory_space<hbm>>
      %dma_wait3A_364 = arith.constant 0 : i32
      %dma_wait3A_365 = arith.constant 0 : i32
      %dma_wait3A_366 = tpu.memref_slice %arg8[%dma_wait3A_352, %dma_wait3A_364, %dma_wait3A_365] : memref<2x128x128xf32, #tpu.memory_space<vmem>> -> memref<1x128x128xf32, #tpu.memory_space<vmem>>
      %dma_wait3A_367 = tpu.memref_squeeze %dma_wait3A_366 : memref<1x128x128xf32, #tpu.memory_space<vmem>> -> memref<128x128xf32, #tpu.memory_space<vmem>>
      tpu.wait_dma2 semaphore(%dma_wait3A_361 : memref<!tpu.dma_semaphore, #tpu.memory_space<semaphore_mem>>) src(%dma_wait3A_367 : memref<128x128xf32, #tpu.memory_space<vmem>>) dst(%dma_wait3A_363 : memref<128x128xf32, #tpu.memory_space<hbm>>)
      %dma_wait3A_368 = arith.constant 0 : i32
      %dma_wait3A_369 = arith.constant 0 : i32
      %dma_wait3A_370 = arith.constant 0 : i32
      %dma_wait3A_371 = arith.constant 0 : i32
      %dma_wait3A_372 = tpu.memref_slice %arg9[%dma_wait3A_368, %dma_wait3A_370, %dma_wait3A_371] : memref<2x128x128xf32, #tpu.memory_space<vmem>> -> memref<1x128x128xf32, #tpu.memory_space<vmem>>
      %dma_wait3A_373 = tpu.memref_squeeze %dma_wait3A_372 : memref<1x128x128xf32, #tpu.memory_space<vmem>> -> memref<128x128xf32, #tpu.memory_space<vmem>>
      %dma_wait3A_374 = arith.constant 0 : i32
      %dma_wait3A_375 = tpu.memref_slice %arg6[%add3A_351, %dma_wait3A_374] : memref<204800x128xf32, #tpu.memory_space<hbm>> -> memref<128x128xf32, #tpu.memory_space<hbm>>
      %dma_wait3A_376 = tpu.memref_slice %arg11[%dma_wait3A_369] : memref<2x!tpu.dma_semaphore, #tpu.memory_space<semaphore_mem>> -> memref<1x!tpu.dma_semaphore, #tpu.memory_space<semaphore_mem>>
      %dma_wait3A_377 = tpu.memref_squeeze %dma_wait3A_376 : memref<1x!tpu.dma_semaphore, #tpu.memory_space<semaphore_mem>> -> memref<!tpu.dma_semaphore, #tpu.memory_space<semaphore_mem>>
      %dma_wait3A_378 = arith.constant 0 : i32
      %dma_wait3A_379 = tpu.memref_slice %arg6[%add3A_351, %dma_wait3A_378] : memref<204800x128xf32, #tpu.memory_space<hbm>> -> memref<128x128xf32, #tpu.memory_space<hbm>>
      %dma_wait3A_380 = arith.constant 0 : i32
      %dma_wait3A_381 = arith.constant 0 : i32
      %dma_wait3A_382 = tpu.memref_slice %arg9[%dma_wait3A_368, %dma_wait3A_380, %dma_wait3A_381] : memref<2x128x128xf32, #tpu.memory_space<vmem>> -> memref<1x128x128xf32, #tpu.memory_space<vmem>>
      %dma_wait3A_383 = tpu.memref_squeeze %dma_wait3A_382 : memref<1x128x128xf32, #tpu.memory_space<vmem>> -> memref<128x128xf32, #tpu.memory_space<vmem>>
      tpu.wait_dma2 semaphore(%dma_wait3A_377 : memref<!tpu.dma_semaphore, #tpu.memory_space<semaphore_mem>>) src(%dma_wait3A_383 : memref<128x128xf32, #tpu.memory_space<vmem>>) dst(%dma_wait3A_379 : memref<128x128xf32, #tpu.memory_space<hbm>>)
      %add3A_384 = arith.constant 1 : i32
      %add3A_385 = arith.addi %sub3A_273, %add3A_384 : i32
      %mul3A_386 = arith.constant 128 : i32
      %mul3A_387 = arith.muli %add3A_385, %mul3A_386 : i32
      %dma_start3A_388 = arith.constant 0 : i32
      %dma_start3A_389 = arith.constant 0 : i32
      %dma_start3A_390 = arith.constant 0 : i32
      %dma_start3A_391 = arith.constant 0 : i32
      %dma_start3A_392 = tpu.memref_slice %arg8[%dma_start3A_388, %dma_start3A_390, %dma_start3A_391] : memref<2x128x128xf32, #tpu.memory_space<vmem>> -> memref<1x128x128xf32, #tpu.memory_space<vmem>>
      %dma_start3A_393 = tpu.memref_squeeze %dma_start3A_392 : memref<1x128x128xf32, #tpu.memory_space<vmem>> -> memref<128x128xf32, #tpu.memory_space<vmem>>
      %dma_start3A_394 = tpu.memref_slice %arg7[%mul3A_387] : memref<6400xi32, #tpu.memory_space<vmem>> -> memref<128xi32, #tpu.memory_space<vmem>>
      %dma_start3A_395 = arith.constant 0 : i32
      %dma_start3A_396 = arith.constant 0 : i32
      %dma_start3A_397 = tpu.memref_slice %arg3[%dma_start3A_395, %dma_start3A_396] : memref<100000x128xf32, #tpu.memory_space<hbm>> -> memref<100000x128xf32, #tpu.memory_space<hbm>>
      %dma_start3A_398 = tpu.memref_slice %arg10[%dma_start3A_389] : memref<2x!tpu.dma_semaphore, #tpu.memory_space<semaphore_mem>> -> memref<1x!tpu.dma_semaphore, #tpu.memory_space<semaphore_mem>>
      %dma_start3A_399 = tpu.memref_squeeze %dma_start3A_398 : memref<1x!tpu.dma_semaphore, #tpu.memory_space<semaphore_mem>> -> memref<!tpu.dma_semaphore, #tpu.memory_space<semaphore_mem>>
      tpu.enqueue_indirect_dma source(%dma_start3A_397 : memref<100000x128xf32, #tpu.memory_space<hbm>>) target(%dma_start3A_393 : memref<128x128xf32, #tpu.memory_space<vmem>>) offsets(%dma_start3A_394 : memref<128xi32, #tpu.memory_space<vmem>>) semaphore(%dma_start3A_399 : memref<!tpu.dma_semaphore, #tpu.memory_space<semaphore_mem>>)
      %dma_start3A_400 = arith.constant 0 : i32
      %dma_start3A_401 = arith.constant 0 : i32
      %dma_start3A_402 = arith.constant 0 : i32
      %dma_start3A_403 = arith.constant 0 : i32
      %dma_start3A_404 = tpu.memref_slice %arg9[%dma_start3A_400, %dma_start3A_402, %dma_start3A_403] : memref<2x128x128xf32, #tpu.memory_space<vmem>> -> memref<1x128x128xf32, #tpu.memory_space<vmem>>
      %dma_start3A_405 = tpu.memref_squeeze %dma_start3A_404 : memref<1x128x128xf32, #tpu.memory_space<vmem>> -> memref<128x128xf32, #tpu.memory_space<vmem>>
      %dma_start3A_406 = tpu.memref_slice %arg7[%mul3A_387] : memref<6400xi32, #tpu.memory_space<vmem>> -> memref<128xi32, #tpu.memory_space<vmem>>
      %dma_start3A_407 = arith.constant 0 : i32
      %dma_start3A_408 = arith.constant 0 : i32
      %dma_start3A_409 = tpu.memref_slice %arg4[%dma_start3A_407, %dma_start3A_408] : memref<100000x128xf32, #tpu.memory_space<hbm>> -> memref<100000x128xf32, #tpu.memory_space<hbm>>
      %dma_start3A_410 = tpu.memref_slice %arg10[%dma_start3A_401] : memref<2x!tpu.dma_semaphore, #tpu.memory_space<semaphore_mem>> -> memref<1x!tpu.dma_semaphore, #tpu.memory_space<semaphore_mem>>
      %dma_start3A_411 = tpu.memref_squeeze %dma_start3A_410 : memref<1x!tpu.dma_semaphore, #tpu.memory_space<semaphore_mem>> -> memref<!tpu.dma_semaphore, #tpu.memory_space<semaphore_mem>>
      tpu.enqueue_indirect_dma source(%dma_start3A_409 : memref<100000x128xf32, #tpu.memory_space<hbm>>) target(%dma_start3A_405 : memref<128x128xf32, #tpu.memory_space<vmem>>) offsets(%dma_start3A_406 : memref<128xi32, #tpu.memory_space<vmem>>) semaphore(%dma_start3A_411 : memref<!tpu.dma_semaphore, #tpu.memory_space<semaphore_mem>>)
      %add3A_412 = arith.constant 1 : i32
      %add3A_413 = arith.addi %scan3A_266, %add3A_412 : i32
      %mul3A_414 = arith.constant 2 : i32
      %mul3A_415 = arith.muli %add3A_413, %mul3A_414 : i32
      %add3A_416 = arith.constant 1 : i32
      %add3A_417 = arith.addi %mul3A_415, %add3A_416 : i32
      %sub3A_418 = arith.constant 1 : i32
      %sub3A_419 = arith.subi %add3A_417, %sub3A_418 : i32
      %dma_wait3A_420 = arith.constant 0 : i32
      %dma_wait3A_421 = arith.constant 0 : i32
      %dma_wait3A_422 = arith.constant 0 : i32
      %dma_wait3A_423 = arith.constant 0 : i32
      %dma_wait3A_424 = tpu.memref_slice %arg8[%dma_wait3A_420, %dma_wait3A_422, %dma_wait3A_423] : memref<2x128x128xf32, #tpu.memory_space<vmem>> -> memref<1x128x128xf32, #tpu.memory_space<vmem>>
      %dma_wait3A_425 = tpu.memref_squeeze %dma_wait3A_424 : memref<1x128x128xf32, #tpu.memory_space<vmem>> -> memref<128x128xf32, #tpu.memory_space<vmem>>
      %dma_wait3A_426 = arith.constant 0 : i32
      %dma_wait3A_427 = arith.constant 0 : i32
      %dma_wait3A_428 = tpu.memref_slice %arg3[%dma_wait3A_426, %dma_wait3A_427] : memref<100000x128xf32, #tpu.memory_space<hbm>> -> memref<128x128xf32, #tpu.memory_space<hbm>>
      %dma_wait3A_429 = tpu.memref_slice %arg10[%dma_wait3A_421] : memref<2x!tpu.dma_semaphore, #tpu.memory_space<semaphore_mem>> -> memref<1x!tpu.dma_semaphore, #tpu.memory_space<semaphore_mem>>
      %dma_wait3A_430 = tpu.memref_squeeze %dma_wait3A_429 : memref<1x!tpu.dma_semaphore, #tpu.memory_space<semaphore_mem>> -> memref<!tpu.dma_semaphore, #tpu.memory_space<semaphore_mem>>
      %dma_wait3A_431 = arith.constant 0 : i32
      %dma_wait3A_432 = arith.constant 0 : i32
      %dma_wait3A_433 = tpu.memref_slice %arg8[%dma_wait3A_420, %dma_wait3A_431, %dma_wait3A_432] : memref<2x128x128xf32, #tpu.memory_space<vmem>> -> memref<1x128x128xf32, #tpu.memory_space<vmem>>
      %dma_wait3A_434 = tpu.memref_squeeze %dma_wait3A_433 : memref<1x128x128xf32, #tpu.memory_space<vmem>> -> memref<128x128xf32, #tpu.memory_space<vmem>>
      %dma_wait3A_435 = arith.constant 0 : i32
      %dma_wait3A_436 = arith.constant 0 : i32
      %dma_wait3A_437 = tpu.memref_slice %arg3[%dma_wait3A_435, %dma_wait3A_436] : memref<100000x128xf32, #tpu.memory_space<hbm>> -> memref<128x128xf32, #tpu.memory_space<hbm>>
      tpu.wait_dma2 semaphore(%dma_wait3A_430 : memref<!tpu.dma_semaphore, #tpu.memory_space<semaphore_mem>>) src(%dma_wait3A_437 : memref<128x128xf32, #tpu.memory_space<hbm>>) dst(%dma_wait3A_434 : memref<128x128xf32, #tpu.memory_space<vmem>>)
      %dma_wait3A_438 = arith.constant 0 : i32
      %dma_wait3A_439 = arith.constant 0 : i32
      %dma_wait3A_440 = arith.constant 0 : i32
      %dma_wait3A_441 = arith.constant 0 : i32
      %dma_wait3A_442 = tpu.memref_slice %arg9[%dma_wait3A_438, %dma_wait3A_440, %dma_wait3A_441] : memref<2x128x128xf32, #tpu.memory_space<vmem>> -> memref<1x128x128xf32, #tpu.memory_space<vmem>>
      %dma_wait3A_443 = tpu.memref_squeeze %dma_wait3A_442 : memref<1x128x128xf32, #tpu.memory_space<vmem>> -> memref<128x128xf32, #tpu.memory_space<vmem>>
      %dma_wait3A_444 = arith.constant 0 : i32
      %dma_wait3A_445 = arith.constant 0 : i32
      %dma_wait3A_446 = tpu.memref_slice %arg4[%dma_wait3A_444, %dma_wait3A_445] : memref<100000x128xf32, #tpu.memory_space<hbm>> -> memref<128x128xf32, #tpu.memory_space<hbm>>
      %dma_wait3A_447 = tpu.memref_slice %arg10[%dma_wait3A_439] : memref<2x!tpu.dma_semaphore, #tpu.memory_space<semaphore_mem>> -> memref<1x!tpu.dma_semaphore, #tpu.memory_space<semaphore_mem>>
      %dma_wait3A_448 = tpu.memref_squeeze %dma_wait3A_447 : memref<1x!tpu.dma_semaphore, #tpu.memory_space<semaphore_mem>> -> memref<!tpu.dma_semaphore, #tpu.memory_space<semaphore_mem>>
      %dma_wait3A_449 = arith.constant 0 : i32
      %dma_wait3A_450 = arith.constant 0 : i32
      %dma_wait3A_451 = tpu.memref_slice %arg9[%dma_wait3A_438, %dma_wait3A_449, %dma_wait3A_450] : memref<2x128x128xf32, #tpu.memory_space<vmem>> -> memref<1x128x128xf32, #tpu.memory_space<vmem>>
      %dma_wait3A_452 = tpu.memref_squeeze %dma_wait3A_451 : memref<1x128x128xf32, #tpu.memory_space<vmem>> -> memref<128x128xf32, #tpu.memory_space<vmem>>
      %dma_wait3A_453 = arith.constant 0 : i32
      %dma_wait3A_454 = arith.constant 0 : i32
      %dma_wait3A_455 = tpu.memref_slice %arg4[%dma_wait3A_453, %dma_wait3A_454] : memref<100000x128xf32, #tpu.memory_space<hbm>> -> memref<128x128xf32, #tpu.memory_space<hbm>>
      tpu.wait_dma2 semaphore(%dma_wait3A_448 : memref<!tpu.dma_semaphore, #tpu.memory_space<semaphore_mem>>) src(%dma_wait3A_455 : memref<128x128xf32, #tpu.memory_space<hbm>>) dst(%dma_wait3A_452 : memref<128x128xf32, #tpu.memory_space<vmem>>)
      %mul3A_456 = arith.constant 128 : i32
      %mul3A_457 = arith.muli %sub3A_419, %mul3A_456 : i32
      %add3A_458 = arith.addi %mul3A_2, %mul3A_457 : i32
      %dma_start3A_459 = arith.constant 0 : i32
      %dma_start3A_460 = arith.constant 0 : i32
      %dma_start3A_461 = arith.constant 0 : i32
      %dma_start3A_462 = arith.constant 0 : i32
      %dma_start3A_463 = tpu.memref_slice %arg8[%dma_start3A_459, %dma_start3A_461, %dma_start3A_462] : memref<2x128x128xf32, #tpu.memory_space<vmem>> -> memref<1x128x128xf32, #tpu.memory_space<vmem>>
      %dma_start3A_464 = tpu.memref_squeeze %dma_start3A_463 : memref<1x128x128xf32, #tpu.memory_space<vmem>> -> memref<128x128xf32, #tpu.memory_space<vmem>>
      %dma_start3A_465 = arith.constant 0 : i32
      %dma_start3A_466 = tpu.memref_slice %arg5[%add3A_458, %dma_start3A_465] : memref<204800x128xf32, #tpu.memory_space<hbm>> -> memref<128x128xf32, #tpu.memory_space<hbm>>
      %dma_start3A_467 = tpu.memref_slice %arg11[%dma_start3A_460] : memref<2x!tpu.dma_semaphore, #tpu.memory_space<semaphore_mem>> -> memref<1x!tpu.dma_semaphore, #tpu.memory_space<semaphore_mem>>
      %dma_start3A_468 = tpu.memref_squeeze %dma_start3A_467 : memref<1x!tpu.dma_semaphore, #tpu.memory_space<semaphore_mem>> -> memref<!tpu.dma_semaphore, #tpu.memory_space<semaphore_mem>>
      %dma_start3A_469 = arith.constant 0 : i32
      %dma_start3A_470 = tpu.memref_slice %arg5[%add3A_458, %dma_start3A_469] : memref<204800x128xf32, #tpu.memory_space<hbm>> -> memref<128x128xf32, #tpu.memory_space<hbm>>
      %dma_start3A_471 = arith.constant 0 : i32
      %dma_start3A_472 = arith.constant 0 : i32
      %dma_start3A_473 = tpu.memref_slice %arg8[%dma_start3A_459, %dma_start3A_471, %dma_start3A_472] : memref<2x128x128xf32, #tpu.memory_space<vmem>> -> memref<1x128x128xf32, #tpu.memory_space<vmem>>
      %dma_start3A_474 = tpu.memref_squeeze %dma_start3A_473 : memref<1x128x128xf32, #tpu.memory_space<vmem>> -> memref<128x128xf32, #tpu.memory_space<vmem>>
      tpu.enqueue_dma source(%dma_start3A_474 : memref<128x128xf32, #tpu.memory_space<vmem>>) target(%dma_start3A_470 : memref<128x128xf32, #tpu.memory_space<hbm>>) target_semaphore(%dma_start3A_468 : memref<!tpu.dma_semaphore, #tpu.memory_space<semaphore_mem>>)
      %dma_start3A_475 = arith.constant 0 : i32
      %dma_start3A_476 = arith.constant 0 : i32
      %dma_start3A_477 = arith.constant 0 : i32
      %dma_start3A_478 = arith.constant 0 : i32
      %dma_start3A_479 = tpu.memref_slice %arg9[%dma_start3A_475, %dma_start3A_477, %dma_start3A_478] : memref<2x128x128xf32, #tpu.memory_space<vmem>> -> memref<1x128x128xf32, #tpu.memory_space<vmem>>
      %dma_start3A_480 = tpu.memref_squeeze %dma_start3A_479 : memref<1x128x128xf32, #tpu.memory_space<vmem>> -> memref<128x128xf32, #tpu.memory_space<vmem>>
      %dma_start3A_481 = arith.constant 0 : i32
      %dma_start3A_482 = tpu.memref_slice %arg6[%add3A_458, %dma_start3A_481] : memref<204800x128xf32, #tpu.memory_space<hbm>> -> memref<128x128xf32, #tpu.memory_space<hbm>>
      %dma_start3A_483 = tpu.memref_slice %arg11[%dma_start3A_476] : memref<2x!tpu.dma_semaphore, #tpu.memory_space<semaphore_mem>> -> memref<1x!tpu.dma_semaphore, #tpu.memory_space<semaphore_mem>>
      %dma_start3A_484 = tpu.memref_squeeze %dma_start3A_483 : memref<1x!tpu.dma_semaphore, #tpu.memory_space<semaphore_mem>> -> memref<!tpu.dma_semaphore, #tpu.memory_space<semaphore_mem>>
      %dma_start3A_485 = arith.constant 0 : i32
      %dma_start3A_486 = tpu.memref_slice %arg6[%add3A_458, %dma_start3A_485] : memref<204800x128xf32, #tpu.memory_space<hbm>> -> memref<128x128xf32, #tpu.memory_space<hbm>>
      %dma_start3A_487 = arith.constant 0 : i32
      %dma_start3A_488 = arith.constant 0 : i32
      %dma_start3A_489 = tpu.memref_slice %arg9[%dma_start3A_475, %dma_start3A_487, %dma_start3A_488] : memref<2x128x128xf32, #tpu.memory_space<vmem>> -> memref<1x128x128xf32, #tpu.memory_space<vmem>>
      %dma_start3A_490 = tpu.memref_squeeze %dma_start3A_489 : memref<1x128x128xf32, #tpu.memory_space<vmem>> -> memref<128x128xf32, #tpu.memory_space<vmem>>
      tpu.enqueue_dma source(%dma_start3A_490 : memref<128x128xf32, #tpu.memory_space<vmem>>) target(%dma_start3A_486 : memref<128x128xf32, #tpu.memory_space<hbm>>) target_semaphore(%dma_start3A_484 : memref<!tpu.dma_semaphore, #tpu.memory_space<semaphore_mem>>)
      %add3A_491 = arith.constant 1 : i32
      %add3A_492 = arith.addi %sub3A_419, %add3A_491 : i32
      %sub3A_493 = arith.constant 2 : i32
      %sub3A_494 = arith.subi %add3A_492, %sub3A_493 : i32
      %mul3A_495 = arith.constant 128 : i32
      %mul3A_496 = arith.muli %sub3A_494, %mul3A_495 : i32
      %add3A_497 = arith.addi %mul3A_2, %mul3A_496 : i32
      %dma_wait3A_498 = arith.constant 1 : i32
      %dma_wait3A_499 = arith.constant 1 : i32
      %dma_wait3A_500 = arith.constant 0 : i32
      %dma_wait3A_501 = arith.constant 0 : i32
      %dma_wait3A_502 = tpu.memref_slice %arg8[%dma_wait3A_498, %dma_wait3A_500, %dma_wait3A_501] : memref<2x128x128xf32, #tpu.memory_space<vmem>> -> memref<1x128x128xf32, #tpu.memory_space<vmem>>
      %dma_wait3A_503 = tpu.memref_squeeze %dma_wait3A_502 : memref<1x128x128xf32, #tpu.memory_space<vmem>> -> memref<128x128xf32, #tpu.memory_space<vmem>>
      %dma_wait3A_504 = arith.constant 0 : i32
      %dma_wait3A_505 = tpu.memref_slice %arg5[%add3A_497, %dma_wait3A_504] : memref<204800x128xf32, #tpu.memory_space<hbm>> -> memref<128x128xf32, #tpu.memory_space<hbm>>
      %dma_wait3A_506 = tpu.memref_slice %arg11[%dma_wait3A_499] : memref<2x!tpu.dma_semaphore, #tpu.memory_space<semaphore_mem>> -> memref<1x!tpu.dma_semaphore, #tpu.memory_space<semaphore_mem>>
      %dma_wait3A_507 = tpu.memref_squeeze %dma_wait3A_506 : memref<1x!tpu.dma_semaphore, #tpu.memory_space<semaphore_mem>> -> memref<!tpu.dma_semaphore, #tpu.memory_space<semaphore_mem>>
      %dma_wait3A_508 = arith.constant 0 : i32
      %dma_wait3A_509 = tpu.memref_slice %arg5[%add3A_497, %dma_wait3A_508] : memref<204800x128xf32, #tpu.memory_space<hbm>> -> memref<128x128xf32, #tpu.memory_space<hbm>>
      %dma_wait3A_510 = arith.constant 0 : i32
      %dma_wait3A_511 = arith.constant 0 : i32
      %dma_wait3A_512 = tpu.memref_slice %arg8[%dma_wait3A_498, %dma_wait3A_510, %dma_wait3A_511] : memref<2x128x128xf32, #tpu.memory_space<vmem>> -> memref<1x128x128xf32, #tpu.memory_space<vmem>>
      %dma_wait3A_513 = tpu.memref_squeeze %dma_wait3A_512 : memref<1x128x128xf32, #tpu.memory_space<vmem>> -> memref<128x128xf32, #tpu.memory_space<vmem>>
      tpu.wait_dma2 semaphore(%dma_wait3A_507 : memref<!tpu.dma_semaphore, #tpu.memory_space<semaphore_mem>>) src(%dma_wait3A_513 : memref<128x128xf32, #tpu.memory_space<vmem>>) dst(%dma_wait3A_509 : memref<128x128xf32, #tpu.memory_space<hbm>>)
      %dma_wait3A_514 = arith.constant 1 : i32
      %dma_wait3A_515 = arith.constant 1 : i32
      %dma_wait3A_516 = arith.constant 0 : i32
      %dma_wait3A_517 = arith.constant 0 : i32
      %dma_wait3A_518 = tpu.memref_slice %arg9[%dma_wait3A_514, %dma_wait3A_516, %dma_wait3A_517] : memref<2x128x128xf32, #tpu.memory_space<vmem>> -> memref<1x128x128xf32, #tpu.memory_space<vmem>>
      %dma_wait3A_519 = tpu.memref_squeeze %dma_wait3A_518 : memref<1x128x128xf32, #tpu.memory_space<vmem>> -> memref<128x128xf32, #tpu.memory_space<vmem>>
      %dma_wait3A_520 = arith.constant 0 : i32
      %dma_wait3A_521 = tpu.memref_slice %arg6[%add3A_497, %dma_wait3A_520] : memref<204800x128xf32, #tpu.memory_space<hbm>> -> memref<128x128xf32, #tpu.memory_space<hbm>>
      %dma_wait3A_522 = tpu.memref_slice %arg11[%dma_wait3A_515] : memref<2x!tpu.dma_semaphore, #tpu.memory_space<semaphore_mem>> -> memref<1x!tpu.dma_semaphore, #tpu.memory_space<semaphore_mem>>
      %dma_wait3A_523 = tpu.memref_squeeze %dma_wait3A_522 : memref<1x!tpu.dma_semaphore, #tpu.memory_space<semaphore_mem>> -> memref<!tpu.dma_semaphore, #tpu.memory_space<semaphore_mem>>
      %dma_wait3A_524 = arith.constant 0 : i32
      %dma_wait3A_525 = tpu.memref_slice %arg6[%add3A_497, %dma_wait3A_524] : memref<204800x128xf32, #tpu.memory_space<hbm>> -> memref<128x128xf32, #tpu.memory_space<hbm>>
      %dma_wait3A_526 = arith.constant 0 : i32
      %dma_wait3A_527 = arith.constant 0 : i32
      %dma_wait3A_528 = tpu.memref_slice %arg9[%dma_wait3A_514, %dma_wait3A_526, %dma_wait3A_527] : memref<2x128x128xf32, #tpu.memory_space<vmem>> -> memref<1x128x128xf32, #tpu.memory_space<vmem>>
      %dma_wait3A_529 = tpu.memref_squeeze %dma_wait3A_528 : memref<1x128x128xf32, #tpu.memory_space<vmem>> -> memref<128x128xf32, #tpu.memory_space<vmem>>
      tpu.wait_dma2 semaphore(%dma_wait3A_523 : memref<!tpu.dma_semaphore, #tpu.memory_space<semaphore_mem>>) src(%dma_wait3A_529 : memref<128x128xf32, #tpu.memory_space<vmem>>) dst(%dma_wait3A_525 : memref<128x128xf32, #tpu.memory_space<hbm>>)
      %add3A_530 = arith.constant 1 : i32
      %add3A_531 = arith.addi %sub3A_419, %add3A_530 : i32
      %mul3A_532 = arith.constant 128 : i32
      %mul3A_533 = arith.muli %add3A_531, %mul3A_532 : i32
      %dma_start3A_534 = arith.constant 1 : i32
      %dma_start3A_535 = arith.constant 1 : i32
      %dma_start3A_536 = arith.constant 0 : i32
      %dma_start3A_537 = arith.constant 0 : i32
      %dma_start3A_538 = tpu.memref_slice %arg8[%dma_start3A_534, %dma_start3A_536, %dma_start3A_537] : memref<2x128x128xf32, #tpu.memory_space<vmem>> -> memref<1x128x128xf32, #tpu.memory_space<vmem>>
      %dma_start3A_539 = tpu.memref_squeeze %dma_start3A_538 : memref<1x128x128xf32, #tpu.memory_space<vmem>> -> memref<128x128xf32, #tpu.memory_space<vmem>>
      %dma_start3A_540 = tpu.memref_slice %arg7[%mul3A_533] : memref<6400xi32, #tpu.memory_space<vmem>> -> memref<128xi32, #tpu.memory_space<vmem>>
      %dma_start3A_541 = arith.constant 0 : i32
      %dma_start3A_542 = arith.constant 0 : i32
      %dma_start3A_543 = tpu.memref_slice %arg3[%dma_start3A_541, %dma_start3A_542] : memref<100000x128xf32, #tpu.memory_space<hbm>> -> memref<100000x128xf32, #tpu.memory_space<hbm>>
      %dma_start3A_544 = tpu.memref_slice %arg10[%dma_start3A_535] : memref<2x!tpu.dma_semaphore, #tpu.memory_space<semaphore_mem>> -> memref<1x!tpu.dma_semaphore, #tpu.memory_space<semaphore_mem>>
      %dma_start3A_545 = tpu.memref_squeeze %dma_start3A_544 : memref<1x!tpu.dma_semaphore, #tpu.memory_space<semaphore_mem>> -> memref<!tpu.dma_semaphore, #tpu.memory_space<semaphore_mem>>
      tpu.enqueue_indirect_dma source(%dma_start3A_543 : memref<100000x128xf32, #tpu.memory_space<hbm>>) target(%dma_start3A_539 : memref<128x128xf32, #tpu.memory_space<vmem>>) offsets(%dma_start3A_540 : memref<128xi32, #tpu.memory_space<vmem>>) semaphore(%dma_start3A_545 : memref<!tpu.dma_semaphore, #tpu.memory_space<semaphore_mem>>)
      %dma_start3A_546 = arith.constant 1 : i32
      %dma_start3A_547 = arith.constant 1 : i32
      %dma_start3A_548 = arith.constant 0 : i32
      %dma_start3A_549 = arith.constant 0 : i32
      %dma_start3A_550 = tpu.memref_slice %arg9[%dma_start3A_546, %dma_start3A_548, %dma_start3A_549] : memref<2x128x128xf32, #tpu.memory_space<vmem>> -> memref<1x128x128xf32, #tpu.memory_space<vmem>>
      %dma_start3A_551 = tpu.memref_squeeze %dma_start3A_550 : memref<1x128x128xf32, #tpu.memory_space<vmem>> -> memref<128x128xf32, #tpu.memory_space<vmem>>
      %dma_start3A_552 = tpu.memref_slice %arg7[%mul3A_533] : memref<6400xi32, #tpu.memory_space<vmem>> -> memref<128xi32, #tpu.memory_space<vmem>>
      %dma_start3A_553 = arith.constant 0 : i32
      %dma_start3A_554 = arith.constant 0 : i32
      %dma_start3A_555 = tpu.memref_slice %arg4[%dma_start3A_553, %dma_start3A_554] : memref<100000x128xf32, #tpu.memory_space<hbm>> -> memref<100000x128xf32, #tpu.memory_space<hbm>>
      %dma_start3A_556 = tpu.memref_slice %arg10[%dma_start3A_547] : memref<2x!tpu.dma_semaphore, #tpu.memory_space<semaphore_mem>> -> memref<1x!tpu.dma_semaphore, #tpu.memory_space<semaphore_mem>>
      %dma_start3A_557 = tpu.memref_squeeze %dma_start3A_556 : memref<1x!tpu.dma_semaphore, #tpu.memory_space<semaphore_mem>> -> memref<!tpu.dma_semaphore, #tpu.memory_space<semaphore_mem>>
      tpu.enqueue_indirect_dma source(%dma_start3A_555 : memref<100000x128xf32, #tpu.memory_space<hbm>>) target(%dma_start3A_551 : memref<128x128xf32, #tpu.memory_space<vmem>>) offsets(%dma_start3A_552 : memref<128xi32, #tpu.memory_space<vmem>>) semaphore(%dma_start3A_557 : memref<!tpu.dma_semaphore, #tpu.memory_space<semaphore_mem>>)
    }
    %scan3A_127 = arith.constant 24 : i32
    %dma_wait3A_128 = arith.constant 1 : i32
    %dma_wait3A_129 = arith.constant 1 : i32
    %dma_wait3A_130 = arith.constant 0 : i32
    %dma_wait3A_131 = arith.constant 0 : i32
    %dma_wait3A_132 = tpu.memref_slice %arg8[%dma_wait3A_128, %dma_wait3A_130, %dma_wait3A_131] : memref<2x128x128xf32, #tpu.memory_space<vmem>> -> memref<1x128x128xf32, #tpu.memory_space<vmem>>
    %dma_wait3A_133 = tpu.memref_squeeze %dma_wait3A_132 : memref<1x128x128xf32, #tpu.memory_space<vmem>> -> memref<128x128xf32, #tpu.memory_space<vmem>>
    %dma_wait3A_134 = arith.constant 0 : i32
    %dma_wait3A_135 = arith.constant 0 : i32
    %dma_wait3A_136 = tpu.memref_slice %arg3[%dma_wait3A_134, %dma_wait3A_135] : memref<100000x128xf32, #tpu.memory_space<hbm>> -> memref<128x128xf32, #tpu.memory_space<hbm>>
    %dma_wait3A_137 = tpu.memref_slice %arg10[%dma_wait3A_129] : memref<2x!tpu.dma_semaphore, #tpu.memory_space<semaphore_mem>> -> memref<1x!tpu.dma_semaphore, #tpu.memory_space<semaphore_mem>>
    %dma_wait3A_138 = tpu.memref_squeeze %dma_wait3A_137 : memref<1x!tpu.dma_semaphore, #tpu.memory_space<semaphore_mem>> -> memref<!tpu.dma_semaphore, #tpu.memory_space<semaphore_mem>>
    %dma_wait3A_139 = arith.constant 0 : i32
    %dma_wait3A_140 = arith.constant 0 : i32
    %dma_wait3A_141 = tpu.memref_slice %arg8[%dma_wait3A_128, %dma_wait3A_139, %dma_wait3A_140] : memref<2x128x128xf32, #tpu.memory_space<vmem>> -> memref<1x128x128xf32, #tpu.memory_space<vmem>>
    %dma_wait3A_142 = tpu.memref_squeeze %dma_wait3A_141 : memref<1x128x128xf32, #tpu.memory_space<vmem>> -> memref<128x128xf32, #tpu.memory_space<vmem>>
    %dma_wait3A_143 = arith.constant 0 : i32
    %dma_wait3A_144 = arith.constant 0 : i32
    %dma_wait3A_145 = tpu.memref_slice %arg3[%dma_wait3A_143, %dma_wait3A_144] : memref<100000x128xf32, #tpu.memory_space<hbm>> -> memref<128x128xf32, #tpu.memory_space<hbm>>
    tpu.wait_dma2 semaphore(%dma_wait3A_138 : memref<!tpu.dma_semaphore, #tpu.memory_space<semaphore_mem>>) src(%dma_wait3A_145 : memref<128x128xf32, #tpu.memory_space<hbm>>) dst(%dma_wait3A_142 : memref<128x128xf32, #tpu.memory_space<vmem>>)
    %dma_wait3A_146 = arith.constant 1 : i32
    %dma_wait3A_147 = arith.constant 1 : i32
    %dma_wait3A_148 = arith.constant 0 : i32
    %dma_wait3A_149 = arith.constant 0 : i32
    %dma_wait3A_150 = tpu.memref_slice %arg9[%dma_wait3A_146, %dma_wait3A_148, %dma_wait3A_149] : memref<2x128x128xf32, #tpu.memory_space<vmem>> -> memref<1x128x128xf32, #tpu.memory_space<vmem>>
    %dma_wait3A_151 = tpu.memref_squeeze %dma_wait3A_150 : memref<1x128x128xf32, #tpu.memory_space<vmem>> -> memref<128x128xf32, #tpu.memory_space<vmem>>
    %dma_wait3A_152 = arith.constant 0 : i32
    %dma_wait3A_153 = arith.constant 0 : i32
    %dma_wait3A_154 = tpu.memref_slice %arg4[%dma_wait3A_152, %dma_wait3A_153] : memref<100000x128xf32, #tpu.memory_space<hbm>> -> memref<128x128xf32, #tpu.memory_space<hbm>>
    %dma_wait3A_155 = tpu.memref_slice %arg10[%dma_wait3A_147] : memref<2x!tpu.dma_semaphore, #tpu.memory_space<semaphore_mem>> -> memref<1x!tpu.dma_semaphore, #tpu.memory_space<semaphore_mem>>
    %dma_wait3A_156 = tpu.memref_squeeze %dma_wait3A_155 : memref<1x!tpu.dma_semaphore, #tpu.memory_space<semaphore_mem>> -> memref<!tpu.dma_semaphore, #tpu.memory_space<semaphore_mem>>
    %dma_wait3A_157 = arith.constant 0 : i32
    %dma_wait3A_158 = arith.constant 0 : i32
    %dma_wait3A_159 = tpu.memref_slice %arg9[%dma_wait3A_146, %dma_wait3A_157, %dma_wait3A_158] : memref<2x128x128xf32, #tpu.memory_space<vmem>> -> memref<1x128x128xf32, #tpu.memory_space<vmem>>
    %dma_wait3A_160 = tpu.memref_squeeze %dma_wait3A_159 : memref<1x128x128xf32, #tpu.memory_space<vmem>> -> memref<128x128xf32, #tpu.memory_space<vmem>>
    %dma_wait3A_161 = arith.constant 0 : i32
    %dma_wait3A_162 = arith.constant 0 : i32
    %dma_wait3A_163 = tpu.memref_slice %arg4[%dma_wait3A_161, %dma_wait3A_162] : memref<100000x128xf32, #tpu.memory_space<hbm>> -> memref<128x128xf32, #tpu.memory_space<hbm>>
    tpu.wait_dma2 semaphore(%dma_wait3A_156 : memref<!tpu.dma_semaphore, #tpu.memory_space<semaphore_mem>>) src(%dma_wait3A_163 : memref<128x128xf32, #tpu.memory_space<hbm>>) dst(%dma_wait3A_160 : memref<128x128xf32, #tpu.memory_space<vmem>>)
    %add3A_164 = arith.constant 6272 : i32
    %add3A_165 = arith.addi %mul3A_2, %add3A_164 : i32
    %dma_start3A_166 = arith.constant 1 : i32
    %dma_start3A_167 = arith.constant 1 : i32
    %dma_start3A_168 = arith.constant 0 : i32
    %dma_start3A_169 = arith.constant 0 : i32
    %dma_start3A_170 = tpu.memref_slice %arg8[%dma_start3A_166, %dma_start3A_168, %dma_start3A_169] : memref<2x128x128xf32, #tpu.memory_space<vmem>> -> memref<1x128x128xf32, #tpu.memory_space<vmem>>
    %dma_start3A_171 = tpu.memref_squeeze %dma_start3A_170 : memref<1x128x128xf32, #tpu.memory_space<vmem>> -> memref<128x128xf32, #tpu.memory_space<vmem>>
    %dma_start3A_172 = arith.constant 0 : i32
    %dma_start3A_173 = tpu.memref_slice %arg5[%add3A_165, %dma_start3A_172] : memref<204800x128xf32, #tpu.memory_space<hbm>> -> memref<128x128xf32, #tpu.memory_space<hbm>>
    %dma_start3A_174 = tpu.memref_slice %arg11[%dma_start3A_167] : memref<2x!tpu.dma_semaphore, #tpu.memory_space<semaphore_mem>> -> memref<1x!tpu.dma_semaphore, #tpu.memory_space<semaphore_mem>>
    %dma_start3A_175 = tpu.memref_squeeze %dma_start3A_174 : memref<1x!tpu.dma_semaphore, #tpu.memory_space<semaphore_mem>> -> memref<!tpu.dma_semaphore, #tpu.memory_space<semaphore_mem>>
    %dma_start3A_176 = arith.constant 0 : i32
    %dma_start3A_177 = tpu.memref_slice %arg5[%add3A_165, %dma_start3A_176] : memref<204800x128xf32, #tpu.memory_space<hbm>> -> memref<128x128xf32, #tpu.memory_space<hbm>>
    %dma_start3A_178 = arith.constant 0 : i32
    %dma_start3A_179 = arith.constant 0 : i32
    %dma_start3A_180 = tpu.memref_slice %arg8[%dma_start3A_166, %dma_start3A_178, %dma_start3A_179] : memref<2x128x128xf32, #tpu.memory_space<vmem>> -> memref<1x128x128xf32, #tpu.memory_space<vmem>>
    %dma_start3A_181 = tpu.memref_squeeze %dma_start3A_180 : memref<1x128x128xf32, #tpu.memory_space<vmem>> -> memref<128x128xf32, #tpu.memory_space<vmem>>
    tpu.enqueue_dma source(%dma_start3A_181 : memref<128x128xf32, #tpu.memory_space<vmem>>) target(%dma_start3A_177 : memref<128x128xf32, #tpu.memory_space<hbm>>) target_semaphore(%dma_start3A_175 : memref<!tpu.dma_semaphore, #tpu.memory_space<semaphore_mem>>)
    %dma_start3A_182 = arith.constant 1 : i32
    %dma_start3A_183 = arith.constant 1 : i32
    %dma_start3A_184 = arith.constant 0 : i32
    %dma_start3A_185 = arith.constant 0 : i32
    %dma_start3A_186 = tpu.memref_slice %arg9[%dma_start3A_182, %dma_start3A_184, %dma_start3A_185] : memref<2x128x128xf32, #tpu.memory_space<vmem>> -> memref<1x128x128xf32, #tpu.memory_space<vmem>>
    %dma_start3A_187 = tpu.memref_squeeze %dma_start3A_186 : memref<1x128x128xf32, #tpu.memory_space<vmem>> -> memref<128x128xf32, #tpu.memory_space<vmem>>
    %dma_start3A_188 = arith.constant 0 : i32
    %dma_start3A_189 = tpu.memref_slice %arg6[%add3A_165, %dma_start3A_188] : memref<204800x128xf32, #tpu.memory_space<hbm>> -> memref<128x128xf32, #tpu.memory_space<hbm>>
    %dma_start3A_190 = tpu.memref_slice %arg11[%dma_start3A_183] : memref<2x!tpu.dma_semaphore, #tpu.memory_space<semaphore_mem>> -> memref<1x!tpu.dma_semaphore, #tpu.memory_space<semaphore_mem>>
    %dma_start3A_191 = tpu.memref_squeeze %dma_start3A_190 : memref<1x!tpu.dma_semaphore, #tpu.memory_space<semaphore_mem>> -> memref<!tpu.dma_semaphore, #tpu.memory_space<semaphore_mem>>
    %dma_start3A_192 = arith.constant 0 : i32
    %dma_start3A_193 = tpu.memref_slice %arg6[%add3A_165, %dma_start3A_192] : memref<204800x128xf32, #tpu.memory_space<hbm>> -> memref<128x128xf32, #tpu.memory_space<hbm>>
    %dma_start3A_194 = arith.constant 0 : i32
    %dma_start3A_195 = arith.constant 0 : i32
    %dma_start3A_196 = tpu.memref_slice %arg9[%dma_start3A_182, %dma_start3A_194, %dma_start3A_195] : memref<2x128x128xf32, #tpu.memory_space<vmem>> -> memref<1x128x128xf32, #tpu.memory_space<vmem>>
    %dma_start3A_197 = tpu.memref_squeeze %dma_start3A_196 : memref<1x128x128xf32, #tpu.memory_space<vmem>> -> memref<128x128xf32, #tpu.memory_space<vmem>>
    tpu.enqueue_dma source(%dma_start3A_197 : memref<128x128xf32, #tpu.memory_space<vmem>>) target(%dma_start3A_193 : memref<128x128xf32, #tpu.memory_space<hbm>>) target_semaphore(%dma_start3A_191 : memref<!tpu.dma_semaphore, #tpu.memory_space<semaphore_mem>>)
    %add3A_198 = arith.constant 6144 : i32
    %add3A_199 = arith.addi %mul3A_2, %add3A_198 : i32
    %dma_wait3A_200 = arith.constant 0 : i32
    %dma_wait3A_201 = arith.constant 0 : i32
    %dma_wait3A_202 = arith.constant 0 : i32
    %dma_wait3A_203 = arith.constant 0 : i32
    %dma_wait3A_204 = tpu.memref_slice %arg8[%dma_wait3A_200, %dma_wait3A_202, %dma_wait3A_203] : memref<2x128x128xf32, #tpu.memory_space<vmem>> -> memref<1x128x128xf32, #tpu.memory_space<vmem>>
    %dma_wait3A_205 = tpu.memref_squeeze %dma_wait3A_204 : memref<1x128x128xf32, #tpu.memory_space<vmem>> -> memref<128x128xf32, #tpu.memory_space<vmem>>
    %dma_wait3A_206 = arith.constant 0 : i32
    %dma_wait3A_207 = tpu.memref_slice %arg5[%add3A_199, %dma_wait3A_206] : memref<204800x128xf32, #tpu.memory_space<hbm>> -> memref<128x128xf32, #tpu.memory_space<hbm>>
    %dma_wait3A_208 = tpu.memref_slice %arg11[%dma_wait3A_201] : memref<2x!tpu.dma_semaphore, #tpu.memory_space<semaphore_mem>> -> memref<1x!tpu.dma_semaphore, #tpu.memory_space<semaphore_mem>>
    %dma_wait3A_209 = tpu.memref_squeeze %dma_wait3A_208 : memref<1x!tpu.dma_semaphore, #tpu.memory_space<semaphore_mem>> -> memref<!tpu.dma_semaphore, #tpu.memory_space<semaphore_mem>>
    %dma_wait3A_210 = arith.constant 0 : i32
    %dma_wait3A_211 = tpu.memref_slice %arg5[%add3A_199, %dma_wait3A_210] : memref<204800x128xf32, #tpu.memory_space<hbm>> -> memref<128x128xf32, #tpu.memory_space<hbm>>
    %dma_wait3A_212 = arith.constant 0 : i32
    %dma_wait3A_213 = arith.constant 0 : i32
    %dma_wait3A_214 = tpu.memref_slice %arg8[%dma_wait3A_200, %dma_wait3A_212, %dma_wait3A_213] : memref<2x128x128xf32, #tpu.memory_space<vmem>> -> memref<1x128x128xf32, #tpu.memory_space<vmem>>
    %dma_wait3A_215 = tpu.memref_squeeze %dma_wait3A_214 : memref<1x128x128xf32, #tpu.memory_space<vmem>> -> memref<128x128xf32, #tpu.memory_space<vmem>>
    tpu.wait_dma2 semaphore(%dma_wait3A_209 : memref<!tpu.dma_semaphore, #tpu.memory_space<semaphore_mem>>) src(%dma_wait3A_215 : memref<128x128xf32, #tpu.memory_space<vmem>>) dst(%dma_wait3A_211 : memref<128x128xf32, #tpu.memory_space<hbm>>)
    %dma_wait3A_216 = arith.constant 0 : i32
    %dma_wait3A_217 = arith.constant 0 : i32
    %dma_wait3A_218 = arith.constant 0 : i32
    %dma_wait3A_219 = arith.constant 0 : i32
    %dma_wait3A_220 = tpu.memref_slice %arg9[%dma_wait3A_216, %dma_wait3A_218, %dma_wait3A_219] : memref<2x128x128xf32, #tpu.memory_space<vmem>> -> memref<1x128x128xf32, #tpu.memory_space<vmem>>
    %dma_wait3A_221 = tpu.memref_squeeze %dma_wait3A_220 : memref<1x128x128xf32, #tpu.memory_space<vmem>> -> memref<128x128xf32, #tpu.memory_space<vmem>>
    %dma_wait3A_222 = arith.constant 0 : i32
    %dma_wait3A_223 = tpu.memref_slice %arg6[%add3A_199, %dma_wait3A_222] : memref<204800x128xf32, #tpu.memory_space<hbm>> -> memref<128x128xf32, #tpu.memory_space<hbm>>
    %dma_wait3A_224 = tpu.memref_slice %arg11[%dma_wait3A_217] : memref<2x!tpu.dma_semaphore, #tpu.memory_space<semaphore_mem>> -> memref<1x!tpu.dma_semaphore, #tpu.memory_space<semaphore_mem>>
    %dma_wait3A_225 = tpu.memref_squeeze %dma_wait3A_224 : memref<1x!tpu.dma_semaphore, #tpu.memory_space<semaphore_mem>> -> memref<!tpu.dma_semaphore, #tpu.memory_space<semaphore_mem>>
    %dma_wait3A_226 = arith.constant 0 : i32
    %dma_wait3A_227 = tpu.memref_slice %arg6[%add3A_199, %dma_wait3A_226] : memref<204800x128xf32, #tpu.memory_space<hbm>> -> memref<128x128xf32, #tpu.memory_space<hbm>>
    %dma_wait3A_228 = arith.constant 0 : i32
    %dma_wait3A_229 = arith.constant 0 : i32
    %dma_wait3A_230 = tpu.memref_slice %arg9[%dma_wait3A_216, %dma_wait3A_228, %dma_wait3A_229] : memref<2x128x128xf32, #tpu.memory_space<vmem>> -> memref<1x128x128xf32, #tpu.memory_space<vmem>>
    %dma_wait3A_231 = tpu.memref_squeeze %dma_wait3A_230 : memref<1x128x128xf32, #tpu.memory_space<vmem>> -> memref<128x128xf32, #tpu.memory_space<vmem>>
    tpu.wait_dma2 semaphore(%dma_wait3A_225 : memref<!tpu.dma_semaphore, #tpu.memory_space<semaphore_mem>>) src(%dma_wait3A_231 : memref<128x128xf32, #tpu.memory_space<vmem>>) dst(%dma_wait3A_227 : memref<128x128xf32, #tpu.memory_space<hbm>>)
    %add3A_232 = arith.constant 6272 : i32
    %add3A_233 = arith.addi %mul3A_2, %add3A_232 : i32
    %dma_wait3A_234 = arith.constant 1 : i32
    %dma_wait3A_235 = arith.constant 1 : i32
    %dma_wait3A_236 = arith.constant 0 : i32
    %dma_wait3A_237 = arith.constant 0 : i32
    %dma_wait3A_238 = tpu.memref_slice %arg8[%dma_wait3A_234, %dma_wait3A_236, %dma_wait3A_237] : memref<2x128x128xf32, #tpu.memory_space<vmem>> -> memref<1x128x128xf32, #tpu.memory_space<vmem>>
    %dma_wait3A_239 = tpu.memref_squeeze %dma_wait3A_238 : memref<1x128x128xf32, #tpu.memory_space<vmem>> -> memref<128x128xf32, #tpu.memory_space<vmem>>
    %dma_wait3A_240 = arith.constant 0 : i32
    %dma_wait3A_241 = tpu.memref_slice %arg5[%add3A_233, %dma_wait3A_240] : memref<204800x128xf32, #tpu.memory_space<hbm>> -> memref<128x128xf32, #tpu.memory_space<hbm>>
    %dma_wait3A_242 = tpu.memref_slice %arg11[%dma_wait3A_235] : memref<2x!tpu.dma_semaphore, #tpu.memory_space<semaphore_mem>> -> memref<1x!tpu.dma_semaphore, #tpu.memory_space<semaphore_mem>>
    %dma_wait3A_243 = tpu.memref_squeeze %dma_wait3A_242 : memref<1x!tpu.dma_semaphore, #tpu.memory_space<semaphore_mem>> -> memref<!tpu.dma_semaphore, #tpu.memory_space<semaphore_mem>>
    %dma_wait3A_244 = arith.constant 0 : i32
    %dma_wait3A_245 = tpu.memref_slice %arg5[%add3A_233, %dma_wait3A_244] : memref<204800x128xf32, #tpu.memory_space<hbm>> -> memref<128x128xf32, #tpu.memory_space<hbm>>
    %dma_wait3A_246 = arith.constant 0 : i32
    %dma_wait3A_247 = arith.constant 0 : i32
    %dma_wait3A_248 = tpu.memref_slice %arg8[%dma_wait3A_234, %dma_wait3A_246, %dma_wait3A_247] : memref<2x128x128xf32, #tpu.memory_space<vmem>> -> memref<1x128x128xf32, #tpu.memory_space<vmem>>
    %dma_wait3A_249 = tpu.memref_squeeze %dma_wait3A_248 : memref<1x128x128xf32, #tpu.memory_space<vmem>> -> memref<128x128xf32, #tpu.memory_space<vmem>>
    tpu.wait_dma2 semaphore(%dma_wait3A_243 : memref<!tpu.dma_semaphore, #tpu.memory_space<semaphore_mem>>) src(%dma_wait3A_249 : memref<128x128xf32, #tpu.memory_space<vmem>>) dst(%dma_wait3A_245 : memref<128x128xf32, #tpu.memory_space<hbm>>)
    %dma_wait3A_250 = arith.constant 1 : i32
    %dma_wait3A_251 = arith.constant 1 : i32
    %dma_wait3A_252 = arith.constant 0 : i32
    %dma_wait3A_253 = arith.constant 0 : i32
    %dma_wait3A_254 = tpu.memref_slice %arg9[%dma_wait3A_250, %dma_wait3A_252, %dma_wait3A_253] : memref<2x128x128xf32, #tpu.memory_space<vmem>> -> memref<1x128x128xf32, #tpu.memory_space<vmem>>
    %dma_wait3A_255 = tpu.memref_squeeze %dma_wait3A_254 : memref<1x128x128xf32, #tpu.memory_space<vmem>> -> memref<128x128xf32, #tpu.memory_space<vmem>>
    %dma_wait3A_256 = arith.constant 0 : i32
    %dma_wait3A_257 = tpu.memref_slice %arg6[%add3A_233, %dma_wait3A_256] : memref<204800x128xf32, #tpu.memory_space<hbm>> -> memref<128x128xf32, #tpu.memory_space<hbm>>
    %dma_wait3A_258 = tpu.memref_slice %arg11[%dma_wait3A_251] : memref<2x!tpu.dma_semaphore, #tpu.memory_space<semaphore_mem>> -> memref<1x!tpu.dma_semaphore, #tpu.memory_space<semaphore_mem>>
    %dma_wait3A_259 = tpu.memref_squeeze %dma_wait3A_258 : memref<1x!tpu.dma_semaphore, #tpu.memory_space<semaphore_mem>> -> memref<!tpu.dma_semaphore, #tpu.memory_space<semaphore_mem>>
    %dma_wait3A_260 = arith.constant 0 : i32
    %dma_wait3A_261 = tpu.memref_slice %arg6[%add3A_233, %dma_wait3A_260] : memref<204800x128xf32, #tpu.memory_space<hbm>> -> memref<128x128xf32, #tpu.memory_space<hbm>>
    %dma_wait3A_262 = arith.constant 0 : i32
    %dma_wait3A_263 = arith.constant 0 : i32
    %dma_wait3A_264 = tpu.memref_slice %arg9[%dma_wait3A_250, %dma_wait3A_262, %dma_wait3A_263] : memref<2x128x128xf32, #tpu.memory_space<vmem>> -> memref<1x128x128xf32, #tpu.memory_space<vmem>>
    %dma_wait3A_265 = tpu.memref_squeeze %dma_wait3A_264 : memref<1x128x128xf32, #tpu.memory_space<vmem>> -> memref<128x128xf32, #tpu.memory_space<vmem>>
    tpu.wait_dma2 semaphore(%dma_wait3A_259 : memref<!tpu.dma_semaphore, #tpu.memory_space<semaphore_mem>>) src(%dma_wait3A_265 : memref<128x128xf32, #tpu.memory_space<vmem>>) dst(%dma_wait3A_261 : memref<128x128xf32, #tpu.memory_space<hbm>>)
    return
  }
}

</mosaic_0001>

<sc_bundles>
// kernel: kernel.3.cloned.1.call-start
scs
__scs_entry_jumppad:
0x0: {  	(pc) =	sbr.rel $0x88, $3  }
0x1: {  	(tag) =	ssettag $0x0;
	lr =	simm.s32 $0x1  }
0x2: {  	[smem:$0x3F9E] =	sst lr;
	_ =	strace $0xD0000000  }
0x3: {  	_ = 	snop  }
0x4: {  	_ = 	snop  }
0x5: {  	_ = 	snop  }
0x6: {  	_ = 	snop  }
0x7: {  	_ = 	snop  }
__scs_overlays_trampoline_lowered:
0x8: {  	[smem:$0x3FAD] =	sst s0  }
0x9: {  	[smem:$0x3FAE] =	sst s1  }
0xa: {  	[smem:$0x3FAF] =	sst s2  }
0xb: {  	[smem:$0x3FB0] =	sst s3  }
0xc: {  	[smem:$0x3FB1] =	sst s4  }
0xd: {  	[smem:$0x3FB2] =	sst s5  }
0xe: {  	[smem:$0x3FB3] =	sst s6  }
0xf: {  	[smem:$0x3FB4] =	sst s7  }
0x10: {  	[smem:$0x3FB5] =	sst s8  }
0x11: {  	[smem:$0x3FB6] =	sst s9;
	s0 =	simm.s32 @!p0 $0x0  }
0x12: {  	s1 =	sld [smem:$0x3F9C];
	s0 =	simm.s32 @p0 $0x1  }
0x13: {  	[smem:$0x3FB7] =	sst s0;
	s0 =	simm.s32 @!p1 $0x0  }
0x14: {  	s2 =	sld [smem:$0x3F9B];
	s0 =	simm.s32 @p1 $0x1  }
0x15: {  	[smem:$0x3FB8] =	sst s0;
	s0 =	simm.s32 @!p2 $0x0  }
0x16: {  	s3 =	sld [smem:$0x3FDB];
	s0 =	simm.s32 @p2 $0x1  }
0x17: {  	s4 =	simm.s32 $0x1BF5;
	[smem:$0x3FBA] =	sst s0  }
0x18: {  	s0 =	sld [smem:$0x3F9D];
	_ =	swait.ge [sflag:s4], $0x0  }
0x19: {  	s7 =	sld [smem:$0x3F9E]  }
0x1a: {  	s8 =	sadd.s32 $0xFFFFE003, lr  }
0x1b: {  	s9 =	sadd.s32 $0xFFFFFEF7, lr;
	s5 =	simm.s32 $0xFFFFFFFF;
	p2 =	slt.u32 s8, $0xFFFFF086  }
0x1c: {  	p1 =	slt.u32 s9, $0xF7A;
	s5 =	simm.s32 @!p2 $0x0  }
0x1d: {  	s5 =	simm.s32 @p1 $0x1;
	p0 =	seq.s32 s7, s2  }
0x1e: {  	s7 =	smul.u32 @!p0 $0xF7A, s2;
	p2 =	seq.s32 @!p0 s5, $0x0  }
0x1f: {  	s9 =	smul.u32 $0xF7A, s1;
	s8 =	simm.s32 @!p0 $0x1BF5;
	p2 =	por !p2, p0  }
0x20: {  	[sflag:s8] =	ssyncset.s32 @!p0 $0xFFFFF086;
	s6 =	sadd.s32 @!p0 s3, s7;
	s7 =	simm.s32 @!p0 $0x108  }
0x21: {  	s3 =	sadd.s32 s3, s9;
	s6 =	sadd.s32 @!p0 $0x88, s6;
	s7 =	simm.s32 @p2 $0x1082  }
0x22: {  	[simem:s7], [sflag:s8] =	dma.local @!p0 [hbm:s6], $0xF7A  }
0x23: {  	s9 =	sor.u32 $0xD0000000, s2;
	s6 =	simm.s32 $0x108;
	_ =	swait.ge @!p0 [sflag:s8], $0x0  }
0x24: {  	s3 =	sadd.s32 $0x88, s3;
	s6 =	simm.s32 @!p1 $0x1082;
	[sflag:s4] =	ssyncset.s32 $0xFFFFF086  }
0x25: {  	[simem:s6], [sflag:s4] =	dma.local [hbm:s3], $0xF7A  }
0x26: {  	[smem:$0x3F9E] =	sst s1;
	(tag) =	ssettag s2;
	_ =	strace s9  }
0x27: {  	s1 =	sld [smem:$0x3FAE]  }
0x28: {  	s2 =	sld [smem:$0x3FAF]  }
0x29: {  	s4 =	sld [smem:$0x3FB1]  }
0x2a: {  	p0 =	seq.s32 s5, $0x0;
	s5 =	sld [smem:$0x3FB2]  }
0x2b: {  	s6 =	sld [smem:$0x3FB3]  }
0x2c: {  	s7 =	sld [smem:$0x3FB4]  }
0x2d: {  	s3 =	simm.s32 $0x108;
	s8 =	sld [smem:$0x3FB5]  }
0x2e: {  	s3 =	simm.s32 @!p0 $0x1082;
	s9 =	sld [smem:$0x3FB6]  }
0x2f: {  	lr =	sadd.s32 s0, s3;
	s0 =	sld [smem:$0x3FAD]  }
0x30: {  	s3 =	sld [smem:$0x3FB0]  }
0x31: {  	[smem:$0x3FB9] =	sst s10  }
0x32: {  	s10 =	sld [smem:$0x3FB7];
	_ =	sdelay $0x3  }
0x33: {  	p0 =	seq.s32 s10, $0x1;
	s10 =	sld [smem:$0x3FB9];
	_ =	sdelay $0x3  }
0x34: {  	[smem:$0x3FB9] =	sst s10  }
0x35: {  	s10 =	sld [smem:$0x3FB8];
	_ =	sdelay $0x3  }
0x36: {  	p1 =	seq.s32 s10, $0x1;
	s10 =	sld [smem:$0x3FB9];
	_ =	sdelay $0x3  }
0x37: {  	[smem:$0x3FB9] =	sst s10  }
0x38: {  	s10 =	sld [smem:$0x3FBA]  }
0x39: {  	_ = 	snop;
	(pc) =	sbr.ind lr, $3  }
0x3a: {  	_ = 	snop  }
0x3b: {  	_ = 	snop  }
0x3c: {  	p2 =	seq.s32 s10, $0x1;
	s10 =	sld [smem:$0x3FB9]  }
0x3d: {  	_ =	shalt  }
0x3e: {  	_ =	shalt  }
0x3f: {  	_ =	shalt  }
0x40: {  	_ =	shalt  }
0x41: {  	_ =	shalt  }
0x42: {  	_ =	shalt  }
0x43: {  	_ =	shalt  }
0x44: {  	_ =	shalt  }
0x45: {  	_ =	shalt  }
0x46: {  	_ =	shalt  }
0x47: {  	_ =	shalt  }
0x48: {  	_ =	shalt  }
0x49: {  	_ =	shalt  }
0x4a: {  	_ =	shalt  }
0x4b: {  	_ =	shalt  }
0x4c: {  	_ =	shalt  }
0x4d: {  	_ =	shalt  }
0x4e: {  	_ =	shalt  }
0x4f: {  	_ =	shalt  }
0x50: {  	_ =	shalt  }
0x51: {  	_ =	shalt  }
0x52: {  	_ =	shalt  }
0x53: {  	_ =	shalt  }
0x54: {  	_ =	shalt  }
0x55: {  	_ =	shalt  }
0x56: {  	_ =	shalt  }
0x57: {  	_ =	shalt  }
0x58: {  	_ =	shalt  }
0x59: {  	_ =	shalt  }
0x5a: {  	_ =	shalt  }
0x5b: {  	_ =	shalt  }
0x5c: {  	_ =	shalt  }
0x5d: {  	_ =	shalt  }
0x5e: {  	_ =	shalt  }
0x5f: {  	_ =	shalt  }
0x60: {  	_ =	shalt  }
0x61: {  	_ =	shalt  }
0x62: {  	_ =	shalt  }
0x63: {  	_ =	shalt  }
0x64: {  	_ =	shalt  }
0x65: {  	_ =	shalt  }
0x66: {  	_ =	shalt  }
0x67: {  	_ =	shalt  }
0x68: {  	_ =	shalt  }
0x69: {  	_ =	shalt  }
0x6a: {  	_ =	shalt  }
0x6b: {  	_ =	shalt  }
0x6c: {  	_ =	shalt  }
0x6d: {  	_ =	shalt  }
0x6e: {  	_ =	shalt  }
0x6f: {  	_ =	shalt  }
0x70: {  	_ =	shalt  }
0x71: {  	_ =	shalt  }
0x72: {  	_ =	shalt  }
0x73: {  	_ =	shalt  }
0x74: {  	_ =	shalt  }
0x75: {  	_ =	shalt  }
0x76: {  	_ =	shalt  }
0x77: {  	_ =	shalt  }
0x78: {  	_ =	shalt  }
0x79: {  	_ =	shalt  }
0x7a: {  	_ =	shalt  }
0x7b: {  	_ =	shalt  }
0x7c: {  	_ =	shalt  }
0x7d: {  	_ =	shalt  }
0x7e: {  	_ =	shalt  }
0x7f: {  	_ =	shalt  }
0x80: {  	_ =	shalt  }
0x81: {  	_ =	shalt  }
0x82: {  	_ =	shalt  }
0x83: {  	_ =	shalt  }
0x84: {  	_ =	shalt  }
0x85: {  	_ =	shalt  }
0x86: {  	_ =	shalt  }
0x87: {  	_ =	shalt  }
.Lfunc_end0:
.L_simem_size_0:
called_computation_lowered:
.L_overlay_start_0:
0x88: {  	s2 =	sld [smem:$0x3FD9]  }
0x89: {  	s3 =	sld [smem:$0x3FFE];
	_ =	sdelay $0x1  }
0x8a: {  	s1 =	srdreg.scid  }
0x8b: {  	s0 =	sand.u32 $0x1, s1  }
0x8c: {  	s17 =	sshll.u32 s0, $0xA;
	s2 =	sadd.s32 s3, s2  }
0x8d: {  	s2 =	sadd.s32 s2, s17  }
0x8e: {  	[smem:$0x3FC5] =	sst s2  }
0x8f: {  	_ = 	snop  }
0x90: {  	s2 =	sld [smem:$0x3FC8]  }
0x91: {  	s18 =	sld [smem:$0x3FC7]  }
0x92: {  	s4 =	sld [smem:$0x3FD0];
	(tm) =	ssettm $0x1  }
0x93: {  	s5 =	sld [smem:$0x3FFB];
	_ =	sdelay $0x3  }
0x94: {  	_ =	strace s5  }
0x95: {  	s5 =	sld [smem:$0x3FFC];
	_ =	sdelay $0x3  }
0x96: {  	_ =	strace s5  }
0x97: {  	s5 =	sld [smem:$0x3FFD];
	_ =	sdelay $0x3  }
0x98: {  	_ =	strace s5  }
0x99: {  	_ =	strace $0x8FFFFFFF  }
0x9a: {  	s19 =	sld [smem:$0x3FDB];
	_ =	sdelay $0x1  }
0x9b: {  	s6 =	simm.s32 $_scs_section_size  }
0x9c: {  	s7 =	simm.s32 $_size__tile_overlayer_lowered;
	s8 =	simm.s32 $_tile_overlayer_lowered  }
0x9d: {  	s22 =	simm.s32 $0x1BFF;
	s21 =	sshll.u32 s8, $0x1;
	s5 =	sadd.s32 s6, s19  }
0x9e: {  	s9 =	simm.s32 $0x0;
	s20 =	sshll.u32 s7, $0x1;
	s7 =	sadd.s32 s21, s5  }
0x9f: {  	[timem:s9], [sflag:s22] =	dma.local [hbm:s7], s20  }
0xa0: {  	_ =	swait.ge [sflag:s22], s20  }
0xa1: {  	s6 =	ssub.s32 $0x0, s20;
	[sflag:s22] =	ssyncset.done $0x0  }
0xa2: {  	[sflag:s22] =	ssyncadd.s32 s6;
	_ =	sdelay $0x1  }
0xa3: {  	s23 =	simm.s32 $0x1B8B  }
0xa4: {  	_ =	swait.ge [sflag:s23], $0x1  }
0xa5: {  	[sflag:s23] =	ssyncset.done $0x0  }
0xa6: {  	s25 =	simm.s32 $0x1B8E;
	s24 =	sld [smem:$0x3FFE];
	[sflag:s23] =	ssyncadd.s32 $0xFFFFFFFF  }
0xa7: {  	s26 =	simm.s32 $execute0_lowered;
	[smem:$0x3FD2] =	sst s25  }
0xa8: {  	s7 =	sshll.u32 s26, $0x1;
	_ =	strace $0x80000046;
	[dreg:$0x1] =	wrdreg $0xFFFFFFFF  }
0xa9: {  	s28 =	simm.s32 $_size_execute0_lowered;
	s5 =	sadd.s32 s5, s7;
	[dreg:$0x0] =	wrdreg $0x0  }
0xaa: {  	s7 =	sshll.u32 s28, $0x1;
	[dreg:$0x2] =	wrdreg s5  }
0xab: {  	[dreg:$0x3] =	wrdreg s7  }
0xac: {  	[dreg:$0x4] =	wrdreg $0xC0  }
0xad: {  	_ =	task [dreg:s9], $0x5FFFF  }
0xae: {  	[dreg:$0x1] =	wrdreg $0xFFFFFFFF  }
0xaf: {  	[dreg:$0x0] =	wrdreg $0x60  }
0xb0: {  	[dreg:$0x2] =	wrdreg s4  }
0xb1: {  	[dreg:$0x3] =	wrdreg s2  }
0xb2: {  	[dreg:$0x4] =	wrdreg s18  }
0xb3: {  	[dreg:$0x5] =	wrdreg s24  }
0xb4: {  	[dreg:$0x6] =	wrdreg $0x9  }
0xb5: {  	_ =	task.clear_ibuf [dreg:s9], $0x7FFFF;
	_ =	strace $0x90000046  }
0xb6: {  	s29 =	simm.s32 $0x9;
	_ =	strace $0x80000048  }
0xb7: {  	_ =	swait.ge [sflag:s29], $0x1  }
0xb8: {  	[sflag:s29] =	ssyncadd.s32 $0xFFFFFFFF  }
0xb9: {  	_ =	strace $0x90000048  }
0xba: {  	_ =	sfence  }
0xbb: {  	s30 =	sld [smem:$0x0];
	_ =	sdelay $0x2  }
0xbc: {  	s31 =	sshll.u32 s1, $0xD;
	s1 =	sshrl.u32 s1, $0x2  }
0xbd: {  	s3 =	sand.u32 $0x4000, s31;
	s1 =	sadd.s32 s1, s30  }
0xbe: {  	s0 =	sor.u32 s3, s0;
	s1 =	sshll.u32 s1, $0x11  }
0xbf: {  	s0 =	sor.u32 s1, s0  }
0xc0: {  	s0 =	sadd.s32 $0x8F2B, s0  }
0xc1: {  	[sflag:s0] =	ssyncadd.remote.s32 $0x1  }
0xc2: {  	_ =	sfence.sel $0xFFFF  }
0xc3: {  	[dreg:$0x0] =	wrdreg $0xFFFFFFFF;
	(pc) =	sbr.abs _section_cstart, $3  }
0xc4: {  	[dreg:$0x1] =	wrdreg $0xFFFFFFFF  }
0xc5: {  	_ =	task.clear_ibuf [dreg:s9], $0x2FFFF;
	_ =	strace $0x9FFFFFFF  }
0xc6: {  	(tm) =	ssettm $0x7FFFFFFF  }
0xc7: {  	_ =	shalt  }
tec
execute0_lowered:
.L_overlay_start_1:
0x0: {  	(tag) =	ssettag $0x1  }
0x1: {  	s5 =	rddreg [dreg:$0x0]  }
0x2: {  	s1 =	rddreg [dreg:$0x1]  }
0x3: {  	s3 =	rddreg [dreg:$0x2]  }
0x4: {  	s6 =	rddreg [dreg:$0x3]  }
0x5: {  	s0 =	rddreg [dreg:$0x4]  }
0x6: {  	s7 =	srdreg.scid;
	s2 =	stileid.u32;
	s4 =	simm.s32 $0x0  }
0x7: {  	s16 =	simm.s32 $0x9900;
	s17 =	simm.s32 $0x1;
	s18 =	simm.s32 $0x5900  }
0x8: {  	s19 =	simm.s32 $0xD900;
	s20 =	simm.s32 $0x2;
	s21 =	simm.s32 $0x3  }
0x9: {  	s22 =	simm.s32 $0x4;
	s23 =	simm.s32 $0x0;
	s8 =	sand.u32 $0x1, s7  }
0xa: {  	s28 =	sshll.u32 s2, $0x1;
	[smem:$0x7FF] =	sst s4;
	s30 =	smul.u32 $0x32000, s2  }
0xb: {  	s10 =	sadd.s32 $0x800, s6;
	s7 =	sor.u32 s8, s28;
	s31 =	smul.u32 $0x19000, s8  }
0xc: {  	s14 =	sadd.s32 $0x320800, s6;
	s11 =	ssub.s32 $0x2, s8;
	s9 =	smul.u32 $0x1900, s7  }
0xd: {  	_ =	strace $0x80000047;
	s12 =	smul.u32 $0x19000, s7;
	s13 =	sshrl.u32 s11, $0x1  }
0xe: {  	s7 =	smul.u32 $0xC8000, s7;
	s15 =	sadd.s32 s30, s10;
	s11 =	ssub.s32 s11, s13  }
0xf: {  	s13 =	sadd.s32 s30, s14;
	s9 =	sshrl.u32 s9, $0x3;
	s6 =	sadd.s32 s10, s12  }
0x10: {  	s29 =	sshrl.u32 s7, $0x3;
	s7 =	sadd.s32 s14, s12;
	s12 =	sadd.s32 s31, s13  }
0x11: {  	s13 =	simm.s32 $0x5;
	s5 =	sadd.s32 s5, s9;
	s9 =	sadd.s32 $0x18800, s29  }
0x12: {  	s8 =	sadd.s32 s10, s9;
	s9 =	sadd.s32 s14, s9;
	s10 =	smax.u32 s11, $0x1  }
0x13: {  	s11 =	sadd.s32 s31, s15;
	s14 =	simm.s32 $0x80;
	s15 =	simm.s32 $0x1900  }
.LBB2_1:
0x14: {  	[tilespmem:s4], [sflag:$0x5] =	stream.linear.gather [hbm4b:s5+s4], $0x1900, $0x38;
	[tilespmem:$0x11900] =	vst v63  }
0x15: {  	_ =	swait.ge [sflag:s13], $0x1900  }
0x16: {  	[sflag:s13] =	ssyncset.done $0x0  }
0x17: {  	[sflag:s13] =	ssyncadd.s32 $0xFFFFE700  }
0x18: {  	[tilespmem:s15], [sflag:$0x1] =	stream.indirect.gather [hbm4b:s1+s14], $0x80, s4, s14, $0xb8;
	[tilespmem:$0x11900] =	vst v63  }
0x19: {  	_ = 	snop  }
0x1a: {  	[tilespmem:s16], [sflag:$0x1] =	stream.indirect.gather [hbm4b:s3+s14], $0x80, s4, s14, $0xb8;
	[tilespmem:$0x11900] =	vst v63  }
0x1b: {  	_ =	swait.ge [sflag:s17], $0x4000  }
0x1c: {  	[sflag:s17] =	ssyncset.done $0x0  }
0x1d: {  	[sflag:s17] =	ssyncadd.s32 $0xFFFFC000  }
0x1e: {  	_ =	swait.ge [sflag:s17], $0x4000  }
0x1f: {  	[sflag:s17] =	ssyncset.done $0x0  }
0x20: {  	[sflag:s17] =	ssyncadd.s32 $0xFFFFC000  }
0x21: {  	[hbm4b:s6+s4] =	stream.linear.scatter [tilespmem:s15], [sflag:$0x3], $0x4000, $0x38;
	[tilespmem:$0x11900] =	vst v63  }
0x22: {  	_ = 	snop  }
0x23: {  	[hbm4b:s7+s4] =	stream.linear.scatter [tilespmem:s16], [sflag:$0x3], $0x4000, $0x38;
	[tilespmem:$0x11900] =	vst v63  }
0x24: {  	_ = 	snop  }
0x25: {  	[tilespmem:s18], [sflag:$0x2] =	stream.indirect.gather [hbm4b:s1+s14], $0x80, s14, s14, $0xb8;
	[tilespmem:$0x11900] =	vst v63  }
0x26: {  	_ = 	snop  }
0x27: {  	[tilespmem:s19], [sflag:$0x2] =	stream.indirect.gather [hbm4b:s3+s14], $0x80, s14, s14, $0xb8;
	[tilespmem:$0x11900] =	vst v63  }
0x28: {  	_ =	swait.ge [sflag:s20], $0x4000  }
0x29: {  	[sflag:s20] =	ssyncset.done $0x0  }
0x2a: {  	[sflag:s20] =	ssyncadd.s32 $0xFFFFC000  }
0x2b: {  	_ =	swait.ge [sflag:s20], $0x4000  }
0x2c: {  	s24 =	sadd.s32 $0x0, s11;
	[sflag:s20] =	ssyncset.done $0x0  }
0x2d: {  	s26 =	sadd.s32 $0x0, s12;
	s25 =	sadd.s32 $0x800, s24;
	[sflag:s20] =	ssyncadd.s32 $0xFFFFC000  }
0x2e: {  	[hbm4b:s25+s4] =	stream.linear.scatter [tilespmem:s18], [sflag:$0x4], $0x4000, $0x38;
	[tilespmem:$0x11900] =	vst v63  }
0x2f: {  	s29 =	sadd.s32 $0x800, s26  }
0x30: {  	[hbm4b:s29+s4] =	stream.linear.scatter [tilespmem:s19], [sflag:$0x4], $0x4000, $0x38;
	[tilespmem:$0x11900] =	vst v63  }
0x31: {  	_ =	swait.ge [sflag:s21], $0x4000  }
0x32: {  	[sflag:s21] =	ssyncset.done $0x0  }
0x33: {  	[sflag:s21] =	ssyncadd.s32 $0xFFFFC000  }
0x34: {  	_ =	swait.ge [sflag:s21], $0x4000  }
0x35: {  	[sflag:s21] =	ssyncset.done $0x0  }
0x36: {  	s30 =	simm.s32 $0x100;
	[sflag:s21] =	ssyncadd.s32 $0xFFFFC000  }
0x37: {  	[tilespmem:s15], [sflag:$0x1] =	stream.indirect.gather [hbm4b:s1+s14], $0x80, s30, s14, $0xb8;
	[tilespmem:$0x11900] =	vst v63  }
0x38: {  	_ = 	snop  }
0x39: {  	[tilespmem:s16], [sflag:$0x1] =	stream.indirect.gather [hbm4b:s3+s14], $0x80, s30, s14, $0xb8;
	[tilespmem:$0x11900] =	vst v63  }
0x3a: {  	_ =	swait.ge [sflag:s17], $0x4000  }
0x3b: {  	[sflag:s17] =	ssyncset.done $0x0  }
0x3c: {  	[sflag:s17] =	ssyncadd.s32 $0xFFFFC000  }
0x3d: {  	_ =	swait.ge [sflag:s17], $0x4000  }
0x3e: {  	[sflag:s17] =	ssyncset.done $0x0  }
0x3f: {  	s24 =	sadd.s32 $0x1000, s24;
	[sflag:s17] =	ssyncadd.s32 $0xFFFFC000  }
0x40: {  	[hbm4b:s24+s4] =	stream.linear.scatter [tilespmem:s15], [sflag:$0x3], $0x4000, $0x38;
	[tilespmem:$0x11900] =	vst v63  }
0x41: {  	s31 =	sadd.s32 $0x1000, s26  }
0x42: {  	[hbm4b:s31+s4] =	stream.linear.scatter [tilespmem:s16], [sflag:$0x3], $0x4000, $0x38;
	[tilespmem:$0x11900] =	vst v63  }
0x43: {  	_ =	swait.ge [sflag:s22], $0x4000  }
0x44: {  	[sflag:s22] =	ssyncset.done $0x0  }
0x45: {  	[sflag:s22] =	ssyncadd.s32 $0xFFFFC000  }
0x46: {  	_ =	swait.ge [sflag:s22], $0x4000  }
0x47: {  	s26 =	simm.s32 $0x280;
	[sflag:s22] =	ssyncset.done $0x0  }
0x48: {  	s25 =	simm.s32 $0x1000;
	s24 =	simm.s32 $0x180;
	[sflag:s22] =	ssyncadd.s32 $0xFFFFC000  }
0x49: {  	[tilespmem:s18], [sflag:$0x2] =	stream.indirect.gather [hbm4b:s1+s14], $0x80, s24, s14, $0xb8;
	[tilespmem:$0x11900] =	vst v63  }
.LBB2_2:
0x4a: {  	[tilespmem:s19], [sflag:$0x2] =	stream.indirect.gather [hbm4b:s3+s14], $0x80, s24, s14, $0xb8;
	[tilespmem:$0x11900] =	vst v63  }
0x4b: {  	s28 =	smov.u32 s25;
	s24 =	smov.u32 s26  }
0x4c: {  	p0 =	sne.s32 s25, $0x17000;
	s25 =	sadd.s32 $0x1000, s25;
	_ =	swait.ge [sflag:s20], $0x4000  }
0x4d: {  	[sflag:s20] =	ssyncset.done $0x0  }
0x4e: {  	[sflag:s20] =	ssyncadd.s32 $0xFFFFC000  }
0x4f: {  	_ =	swait.ge [sflag:s20], $0x4000  }
0x50: {  	s29 =	sadd.s32 s28, s11;
	[sflag:s20] =	ssyncset.done $0x0  }
0x51: {  	s28 =	sadd.s32 s28, s12;
	s30 =	sadd.s32 $0x800, s29;
	[sflag:s20] =	ssyncadd.s32 $0xFFFFC000  }
0x52: {  	[hbm4b:s30+s4] =	stream.linear.scatter [tilespmem:s18], [sflag:$0x4], $0x4000, $0x38;
	[tilespmem:$0x11900] =	vst v63  }
0x53: {  	s30 =	sadd.s32 $0x800, s28  }
0x54: {  	[hbm4b:s30+s4] =	stream.linear.scatter [tilespmem:s19], [sflag:$0x4], $0x4000, $0x38;
	[tilespmem:$0x11900] =	vst v63  }
0x55: {  	_ =	swait.ge [sflag:s21], $0x4000  }
0x56: {  	[sflag:s21] =	ssyncset.done $0x0  }
0x57: {  	[sflag:s21] =	ssyncadd.s32 $0xFFFFC000  }
0x58: {  	_ =	swait.ge [sflag:s21], $0x4000  }
0x59: {  	[sflag:s21] =	ssyncset.done $0x0  }
0x5a: {  	s30 =	sadd.s32 $0xFFFFFF80, s26;
	[sflag:s21] =	ssyncadd.s32 $0xFFFFC000  }
0x5b: {  	[tilespmem:s15], [sflag:$0x1] =	stream.indirect.gather [hbm4b:s1+s14], $0x80, s30, s14, $0xb8;
	[tilespmem:$0x11900] =	vst v63  }
0x5c: {  	_ = 	snop  }
0x5d: {  	[tilespmem:s16], [sflag:$0x1] =	stream.indirect.gather [hbm4b:s3+s14], $0x80, s30, s14, $0xb8;
	[tilespmem:$0x11900] =	vst v63  }
0x5e: {  	_ =	swait.ge [sflag:s17], $0x4000  }
0x5f: {  	[sflag:s17] =	ssyncset.done $0x0  }
0x60: {  	[sflag:s17] =	ssyncadd.s32 $0xFFFFC000  }
0x61: {  	_ =	swait.ge [sflag:s17], $0x4000  }
0x62: {  	[sflag:s17] =	ssyncset.done $0x0  }
0x63: {  	s29 =	sadd.s32 $0x1000, s29;
	[sflag:s17] =	ssyncadd.s32 $0xFFFFC000  }
0x64: {  	[hbm4b:s29+s4] =	stream.linear.scatter [tilespmem:s15], [sflag:$0x3], $0x4000, $0x38;
	[tilespmem:$0x11900] =	vst v63  }
0x65: {  	s28 =	sadd.s32 $0x1000, s28  }
0x66: {  	[hbm4b:s28+s4] =	stream.linear.scatter [tilespmem:s16], [sflag:$0x3], $0x4000, $0x38;
	[tilespmem:$0x11900] =	vst v63  }
0x67: {  	_ =	swait.ge [sflag:s22], $0x4000  }
0x68: {  	[sflag:s22] =	ssyncset.done $0x0  }
0x69: {  	[sflag:s22] =	ssyncadd.s32 $0xFFFFC000  }
.Ltmp0:
0x6a: {  	_ =	swait.ge [sflag:s22], $0x4000;
	(pc) =	sbr.rel @p0 .LBB2_2-.Ltmp0, $4  }
0x6b: {  	[sflag:s22] =	ssyncset.done $0x0  }
0x6c: {  	[sflag:s22] =	ssyncadd.s32 $0xFFFFC000  }
0x6d: {  	[tilespmem:s18], [sflag:$0x2] =	stream.indirect.gather [hbm4b:s1+s14], $0x80, s26, s14, $0xb8;
	[tilespmem:$0x11900] =	vst v63  }
0x6e: {  	s26 =	sadd.s32 $0x100, s26  }
0x6f: {  	[tilespmem:s19], [sflag:$0x2] =	stream.indirect.gather [hbm4b:s3+s14], $0x80, s24, s14, $0xb8;
	[tilespmem:$0x11900] =	vst v63  }
0x70: {  	_ =	swait.ge [sflag:s20], $0x4000  }
0x71: {  	[sflag:s20] =	ssyncset.done $0x0  }
0x72: {  	[sflag:s20] =	ssyncadd.s32 $0xFFFFC000  }
0x73: {  	_ =	swait.ge [sflag:s20], $0x4000  }
0x74: {  	[sflag:s20] =	ssyncset.done $0x0  }
0x75: {  	[sflag:s20] =	ssyncadd.s32 $0xFFFFC000  }
0x76: {  	[hbm4b:s8+s4] =	stream.linear.scatter [tilespmem:s18], [sflag:$0x4], $0x4000, $0x38;
	[tilespmem:$0x11900] =	vst v63  }
0x77: {  	_ = 	snop  }
0x78: {  	[hbm4b:s9+s4] =	stream.linear.scatter [tilespmem:s19], [sflag:$0x4], $0x4000, $0x38;
	[tilespmem:$0x11900] =	vst v63  }
0x79: {  	_ =	swait.ge [sflag:s21], $0x4000  }
0x7a: {  	[sflag:s21] =	ssyncset.done $0x0  }
0x7b: {  	[sflag:s21] =	ssyncadd.s32 $0xFFFFC000  }
0x7c: {  	_ =	swait.ge [sflag:s21], $0x4000  }
0x7d: {  	[sflag:s21] =	ssyncset.done $0x0  }
0x7e: {  	s23 =	sadd.s32 $0x1, s23;
	[sflag:s21] =	ssyncadd.s32 $0xFFFFC000  }
0x7f: {  	p0 =	sne.s32 s23, s10;
	_ =	swait.ge [sflag:s22], $0x4000  }
.Ltmp1:
0x80: {  	[sflag:s22] =	ssyncset.done $0x0;
	(pc) =	sbr.rel @p0 .LBB2_1-.Ltmp1, $4  }
0x81: {  	[sflag:s22] =	ssyncadd.s32 $0xFFFFC000  }
0x82: {  	_ =	swait.ge [sflag:s22], $0x4000  }
0x83: {  	[sflag:s22] =	ssyncset.done $0x0  }
0x84: {  	[sflag:s22] =	ssyncadd.s32 $0xFFFFC000  }
0x85: {  	_ =	sfence.sel $0x180000  }
0x86: {  	[bflag:$0x0] =	sbarrier.arrive $0xFFFF  }
0x87: {  	p0 =	sne.s32 s2, $0x0;
	_ =	strace $0x90000047  }
0x88: {  	s0 =	sadd.s32 @!p0 $0x100000, s0;
	[bflag:$0x2] =	sbarrier.arrive $0xFFFF  }
0x89: {  	[sflag:s0] =	ssyncadd.tile.s32 @!p0 $0x1;
	_ =	shalt  }
.Lfunc_end2:
_tile_overlayer_lowered:
.L_overlay_start_2:
0x8a: {  	(tag) =	ssettag $0x2  }
0x8b: {  	s0 =	rddreg [dreg:$0x0];
	s2 =	stileid.u32  }
0x8c: {  	s1 =	rddreg [dreg:$0x1];
	p0 =	sne.s32 s2, $0x0  }
0x8d: {  	s3 =	rddreg [dreg:$0x2];
	[bflag:$0x3] =	sbarrier.arrive $0xFFFF;
	s2 =	simm.s32 @!p0 $0x1C05  }
0x8e: {  	[timem:s3], [sflag:s2] =	dma.local @!p0 [hbm:s0], s1  }
0x8f: {  	s0 =	simm.s32 @!p0 $0x5  }
0x90: {  	_ =	swait.ge @!p0 [sflag:s0], s1  }
0x91: {  	s1 =	ssub.s32 @!p0 $0x0, s1;
	[sflag:s0] =	ssyncset.done @!p0 $0x0  }
0x92: {  	[sflag:s0] =	ssyncadd.s32 @!p0 s1  }
0x93: {  	[bflag:$0x3] =	sbarrier.arrive $0xFFFF  }
0x94: {  	_ =	shalt  }

</sc_bundles>
